<compile_context>
chip_gen: v7x
topology: tpu7x:2x2x1
jax: 0.10.2.dev20260603
libtpu: 0.0.44.dev20260713+nightly
codegen_flags: <defaults>
</compile_context>

<pallas_src>
import dataclasses

import jax
import jax.numpy as jnp
from jax import lax
from jax.experimental import pallas as pl
from jax.experimental.pallas import tpu as pltpu
from jax.experimental.pallas import tpu_sc as plsc

_N_SEG = 10000
_NNZ = 320000
_D = 128
_EPS = 1e-16

_NC = 2
_NS = 16
_NW = _NC * _NS
_ROWS_PER_W = _NNZ // _NW
_CHUNK = 80
_NCHUNK = _ROWS_PER_W // _CHUNK
_SEG_PER_TILE = 624
_SEG_REM = _N_SEG - _NS * _SEG_PER_TILE
_ZROWS = 16


def _sc_phase1(vals_hbm, seg_hbm, part_hbm, cnt_hbm,
               table_sp, vbuf0, vbuf1, iball, hist, ztab, sem0, sem1, sems0):
    c = lax.axis_index("c")
    s = lax.axis_index("s")
    w = c * _NS + s

    zero16 = jnp.zeros((16,), jnp.float32)
    ones16 = zero16 + 1.0

    iload = pltpu.async_copy(seg_hbm.at[1, w], iball, sem0)

    @pl.loop(0, _ZROWS)
    def _(i):
        @pl.loop(0, _D // 16)
        def _(j):
            ztab[i, pl.ds(j * 16, 16)] = zero16

    @pl.loop(0, _N_SEG // 16)
    def _(i):
        hist[pl.ds(i * 16, 16)] = zero16

    @pl.loop(0, _SEG_PER_TILE // _ZROWS)
    def _(t):
        pltpu.async_copy(ztab,
                         table_sp.at[pl.ds(s * _SEG_PER_TILE + t * _ZROWS,
                                           _ZROWS)], sem1)

    @pl.when(s == _NS - 1)
    def _():
        pltpu.sync_copy(ztab.at[pl.ds(0, _SEG_REM)],
                        table_sp.at[pl.ds(_NS * _SEG_PER_TILE, _SEG_REM)])

    @pl.loop(0, _SEG_PER_TILE // _ZROWS)
    def _(t):
        pltpu.make_async_copy(
            ztab, table_sp.at[pl.ds(s * _SEG_PER_TILE + t * _ZROWS, _ZROWS)],
            sem1).wait()

    iload.wait()
    plsc.subcore_barrier()

    row0 = w * _ROWS_PER_W

    def start(t, buf, sem):
        pltpu.async_copy(vals_hbm.at[pl.ds(row0 + t * _CHUNK, _CHUNK)],
                         buf, sem)

    def wait_load(t, buf, sem):
        pltpu.make_async_copy(vals_hbm.at[pl.ds(row0 + t * _CHUNK, _CHUNK)],
                              buf, sem).wait()

    def hist_update(t):
        @pl.loop(0, _CHUNK // 16)
        def _(j):
            idxv = iball[t, pl.ds(j * 16, 16)]
            plsc.addupdate_scatter(hist, [idxv], ones16)

    def finish(t, buf, sem):
        wait_load(t, buf, sem)
        sc = pltpu.async_copy(buf, table_sp.at[iball.at[t]], sems0, add=True)
        hist_update(t)
        sc.wait()

    start(0, vbuf0, sem0)

    @pl.loop(0, _NCHUNK - 1, step=2)
    def _(t):
        start(t + 1, vbuf1, sem1)
        finish(t, vbuf0, sem0)
        start(t + 2, vbuf0, sem0)
        finish(t + 1, vbuf1, sem1)

    finish(_NCHUNK - 1, vbuf0, sem0)

    pltpu.sync_copy(hist, cnt_hbm.at[c, s])
    plsc.subcore_barrier()

    pltpu.sync_copy(table_sp.at[pl.ds(s * _SEG_PER_TILE, _SEG_PER_TILE)],
                    part_hbm.at[c, pl.ds(s * _SEG_PER_TILE, _SEG_PER_TILE)])

    @pl.when(s == _NS - 1)
    def _():
        pltpu.sync_copy(table_sp.at[pl.ds(_NS * _SEG_PER_TILE, _SEG_REM)],
                        part_hbm.at[c, pl.ds(_NS * _SEG_PER_TILE, _SEG_REM)])


def _tc_merge(part_ref, cnt_ref, out_ref):
    p = part_ref[0] + part_ref[1]
    ones_b = jnp.ones((_NW, _D), jnp.float32)
    n = jax.lax.dot_general(cnt_ref[...], ones_b, (((0,), (0,)), ((), ())),
                            preferred_element_type=jnp.float32)
    out_ref[...] = p / (n + jnp.float32(_EPS))


@jax.jit
def kernel(tens_values, tens_indices):
    seg = tens_indices.astype(jnp.int32).reshape(2, _NW, _NCHUNK, _CHUNK)
    vals = tens_values.astype(jnp.float32)

    mesh = plsc.VectorSubcoreMesh(core_axis_name="c", subcore_axis_name="s")
    cp = pltpu.CompilerParams()
    if "needs_layout_passes" in pltpu.CompilerParams.__dataclass_fields__:
        cp = dataclasses.replace(cp, needs_layout_passes=False)
    phase1 = pl.kernel(
        _sc_phase1,
        out_type=[
            jax.ShapeDtypeStruct((_NC, _N_SEG, _D), jnp.float32),
            jax.ShapeDtypeStruct((_NC, _NS, _N_SEG), jnp.float32),
        ],
        mesh=mesh,
        compiler_params=cp,
        scratch_types=[
            pltpu.VMEM_SHARED((_N_SEG, _D), jnp.float32),
            pltpu.VMEM((_CHUNK, _D), jnp.float32),
            pltpu.VMEM((_CHUNK, _D), jnp.float32),
            pltpu.VMEM((_NCHUNK, _CHUNK), jnp.int32),
            pltpu.VMEM((_N_SEG,), jnp.float32),
            pltpu.VMEM((_ZROWS, _D), jnp.float32),
            pltpu.SemaphoreType.DMA,
            pltpu.SemaphoreType.DMA,
            pltpu.SemaphoreType.DMA,
        ],
    )
    part, cnt = phase1(vals, seg)

    out = pl.pallas_call(
        _tc_merge,
        out_shape=jax.ShapeDtypeStruct((_N_SEG, _D), jnp.float32),
    )(part, cnt.reshape(_NW, _N_SEG))
    return out

# --- scband reference (transcript-rebuilt; emitter-appended) ---
"""Pipeline reference for scband-pool-reduce-25503515803829 (READ-ONLY COPY).

The authoritative reference and input builder live on the scoring server;
editing this copy changes nothing except your own understanding.
"""

import jax, jax.numpy as jnp
import numpy as np

N_SEGMENTS = 10000  # sparse matrix is [10000, 10000] with hybrid dense dim 128
NNZ = 320000
D = 128
AXIS = 0
EPS = 1e-16


def setup_inputs(seed: int = 0) -> dict:
    key = jax.random.key(seed)
    k1, k2 = jax.random.split(key, 2)
    tens_indices = jax.random.randint(k1, (2, NNZ), 0, N_SEGMENTS)
    tens_values = jax.random.normal(k2, (NNZ, D), dtype=jnp.float32)
    return {"tens_values": tens_values, "tens_indices": tens_indices}


def reference(tens_values, tens_indices):
    # torch: sum sparse tensor over dim=axis, divide by per-group nonzero counts (+eps)
    # summing over dim AXIS means grouping by the OTHER sparse index
    seg = tens_indices[1 - AXIS]
    ones = jnp.ones((seg.shape[0],), dtype=jnp.float32)
    n = jax.ops.segment_sum(ones, seg, num_segments=N_SEGMENTS) + EPS
    pooled = jax.ops.segment_sum(tens_values, seg, num_segments=N_SEGMENTS)
    return pooled / n[:, None]

if __name__ == "__main__":
    import jax
    _d = setup_inputs()
    print(jax.jit(kernel)(*tuple(_d.values())))

</pallas_src>

<mosaic_0001>
#map = affine_map<(d0, d1) -> (0, 0)>
#map1 = affine_map<(d0, d1) -> (0, 0, 0, 0)>
#map2 = affine_map<(d0, d1) -> (0, 0, 0)>
module attributes {stable_mosaic.version = 14 : i64} {
  func.func @_sc_phase1(%arg0: i32, %arg1: i32, %arg2: memref<320000x128xf32, #tpu.memory_space<hbm>>, %arg3: memref<2x32x125x80xi32, #tpu.memory_space<hbm>>, %arg4: memref<2x10000x128xf32, #tpu.memory_space<hbm>>, %arg5: memref<2x16x10000xf32, #tpu.memory_space<hbm>>, %arg6: memref<10000x128xf32, #tpu.memory_space<vmem_shared>>, %arg7: memref<80x128xf32, #tpu.memory_space<vmem>>, %arg8: memref<80x128xf32, #tpu.memory_space<vmem>>, %arg9: memref<125x80xi32, #tpu.memory_space<vmem>>, %arg10: memref<10000xf32, #tpu.memory_space<vmem>>, %arg11: memref<16x128xf32, #tpu.memory_space<vmem>>, %arg12: memref<!tpu.dma_semaphore, #tpu.memory_space<semaphore_mem>>, %arg13: memref<!tpu.dma_semaphore, #tpu.memory_space<semaphore_mem>>, %arg14: memref<!tpu.dma_semaphore, #tpu.memory_space<semaphore_mem>>) attributes {dimension_semantics = [#tpu.dimension_semantics<core_parallel>, #tpu.dimension_semantics<subcore_parallel>], iteration_bounds = array<i64: 2, 16>, scalar_prefetch = 0 : i64, scratch_operands = 9 : i64, tpu.core_type = #tpu.core_type<sc_vector_subcore>, window_params = [{transform_indices = #map}, {transform_indices = #map1}, {transform_indices = #map2}, {transform_indices = #map2}]} {
    %mul3A = arith.constant 16 : i32
    %mul3A_0 = arith.muli %arg0, %mul3A : i32
    %add3A = arith.addi %mul3A_0, %arg1 : i32
    %broadcast_in_dim3A = arith.constant 0.000000e+00 : f32
    %broadcast_in_dim3A_1 = vector.broadcast %broadcast_in_dim3A : f32 to vector<16xf32>
    %add3A_2 = arith.constant 1.000000e+00 : f32
    %add3A_3 = vector.broadcast %add3A_2 : f32 to vector<16xf32>
    %add3A_4 = arith.addf %broadcast_in_dim3A_1, %add3A_3 : vector<16xf32>
    %dma_start3A = arith.constant 1 : i32
    %dma_start3A_5 = arith.constant 0 : i32
    %dma_start3A_6 = arith.constant 0 : i32
    %dma_start3A_7 = tpu.memref_slice %arg3[%dma_start3A, %add3A, %dma_start3A_5, %dma_start3A_6] : memref<2x32x125x80xi32, #tpu.memory_space<hbm>> -> memref<1x1x125x80xi32, #tpu.memory_space<hbm>>
    %dma_start3A_8 = tpu.memref_squeeze %dma_start3A_7 : memref<1x1x125x80xi32, #tpu.memory_space<hbm>> -> memref<125x80xi32, #tpu.memory_space<hbm>>
    %dma_start3A_9 = arith.constant 0 : i32
    %dma_start3A_10 = arith.constant 0 : i32
    %dma_start3A_11 = tpu.memref_slice %arg3[%dma_start3A, %add3A, %dma_start3A_9, %dma_start3A_10] : memref<2x32x125x80xi32, #tpu.memory_space<hbm>> -> memref<1x1x125x80xi32, #tpu.memory_space<hbm>>
    %dma_start3A_12 = tpu.memref_squeeze %dma_start3A_11 : memref<1x1x125x80xi32, #tpu.memory_space<hbm>> -> memref<125x80xi32, #tpu.memory_space<hbm>>
    tpu.enqueue_dma source(%dma_start3A_12 : memref<125x80xi32, #tpu.memory_space<hbm>>) target(%arg9 : memref<125x80xi32, #tpu.memory_space<vmem>>) target_semaphore(%arg12 : memref<!tpu.dma_semaphore, #tpu.memory_space<semaphore_mem>>)
    %scan3A = arith.constant 0 : i32
    %scan3A_13 = arith.constant 16 : i32
    %scan3A_14 = arith.addi %scan3A, %scan3A_13 : i32
    %scan3A_15 = arith.constant 1 : i32
    scf.for %scan3A_90 = %scan3A to %scan3A_14 step %scan3A_15  : i32 {
      %mul3A_91 = arith.constant 1 : i32
      %mul3A_92 = arith.muli %scan3A_90, %mul3A_91 : i32
      %add3A_93 = arith.constant 0 : i32
      %add3A_94 = arith.addi %add3A_93, %mul3A_92 : i32
      %scan3A_95 = arith.constant 0 : i32
      %scan3A_96 = arith.constant 8 : i32
      %scan3A_97 = arith.addi %scan3A_95, %scan3A_96 : i32
      %scan3A_98 = arith.constant 1 : i32
      scf.for %scan3A_100 = %scan3A_95 to %scan3A_97 step %scan3A_98  : i32 {
        %mul3A_101 = arith.constant 1 : i32
        %mul3A_102 = arith.muli %scan3A_100, %mul3A_101 : i32
        %add3A_103 = arith.constant 0 : i32
        %add3A_104 = arith.addi %add3A_103, %mul3A_102 : i32
        %mul3A_105 = arith.constant 16 : i32
        %mul3A_106 = arith.muli %add3A_104, %mul3A_105 : i32
        %swap3A = arith.index_cast %add3A_94 : i32 to index
        %swap3A_107 = arith.index_cast %mul3A_106 : i32 to index
        %swap3A_108 = tpu.vector_load %arg11[%swap3A, %swap3A_107] {strides = array<i32>} : memref<16x128xf32, #tpu.memory_space<vmem>>, vector<16xf32>,
        tpu.vector_store %arg11[%swap3A, %swap3A_107], %broadcast_in_dim3A_1 {strides = array<i32>} : memref<16x128xf32, #tpu.memory_space<vmem>>, vector<16xf32>,
      }
      %scan3A_99 = arith.constant 8 : i32
    }
    %scan3A_16 = arith.constant 16 : i32
    %scan3A_17 = arith.constant 0 : i32
    %scan3A_18 = arith.constant 625 : i32
    %scan3A_19 = arith.addi %scan3A_17, %scan3A_18 : i32
    %scan3A_20 = arith.constant 1 : i32
    scf.for %scan3A_90 = %scan3A_17 to %scan3A_19 step %scan3A_20  : i32 {
      %mul3A_91 = arith.constant 1 : i32
      %mul3A_92 = arith.muli %scan3A_90, %mul3A_91 : i32
      %add3A_93 = arith.constant 0 : i32
      %add3A_94 = arith.addi %add3A_93, %mul3A_92 : i32
      %mul3A_95 = arith.constant 16 : i32
      %mul3A_96 = arith.muli %add3A_94, %mul3A_95 : i32
      %swap3A = arith.index_cast %mul3A_96 : i32 to index
      %swap3A_97 = tpu.vector_load %arg10[%swap3A] {strides = array<i32>} : memref<10000xf32, #tpu.memory_space<vmem>>, vector<16xf32>,
      tpu.vector_store %arg10[%swap3A], %broadcast_in_dim3A_1 {strides = array<i32>} : memref<10000xf32, #tpu.memory_space<vmem>>, vector<16xf32>,
    }
    %scan3A_21 = arith.constant 625 : i32
    %scan3A_22 = arith.constant 0 : i32
    %scan3A_23 = arith.constant 39 : i32
    %scan3A_24 = arith.addi %scan3A_22, %scan3A_23 : i32
    %scan3A_25 = arith.constant 1 : i32
    scf.for %scan3A_90 = %scan3A_22 to %scan3A_24 step %scan3A_25  : i32 {
      %mul3A_91 = arith.constant 1 : i32
      %mul3A_92 = arith.muli %scan3A_90, %mul3A_91 : i32
      %add3A_93 = arith.constant 0 : i32
      %add3A_94 = arith.addi %add3A_93, %mul3A_92 : i32
      %mul3A_95 = arith.constant 624 : i32
      %mul3A_96 = arith.muli %arg1, %mul3A_95 : i32
      %mul3A_97 = arith.constant 16 : i32
      %mul3A_98 = arith.muli %add3A_94, %mul3A_97 : i32
      %add3A_99 = arith.addi %mul3A_96, %mul3A_98 : i32
      %dma_start3A_100 = arith.constant 0 : i32
      %dma_start3A_101 = tpu.memref_slice %arg6[%add3A_99, %dma_start3A_100] : memref<10000x128xf32, #tpu.memory_space<vmem_shared>> -> memref<16x128xf32, #tpu.memory_space<vmem_shared>>
      %dma_start3A_102 = arith.constant 0 : i32
      %dma_start3A_103 = tpu.memref_slice %arg6[%add3A_99, %dma_start3A_102] : memref<10000x128xf32, #tpu.memory_space<vmem_shared>> -> memref<16x128xf32, #tpu.memory_space<vmem_shared>>
      tpu.enqueue_dma source(%arg11 : memref<16x128xf32, #tpu.memory_space<vmem>>) target(%dma_start3A_103 : memref<16x128xf32, #tpu.memory_space<vmem_shared>>) target_semaphore(%arg13 : memref<!tpu.dma_semaphore, #tpu.memory_space<semaphore_mem>>)
    }
    %scan3A_26 = arith.constant 39 : i32
    %eq3A = arith.constant 15 : i32
    %eq3A_27 = arith.cmpi eq, %arg1, %eq3A : i32
    %convert_element_type3A = arith.extui %eq3A_27 : i1 to i32
    %cond3A = arith.constant 0 : i32
    %cond3A_28 = arith.cmpi ne, %convert_element_type3A, %cond3A : i32
    scf.if %cond3A_28 {
      "tpu.region"() ({
        %run_scoped3A = tpu.sem_alloc : memref<!tpu.dma_semaphore, #tpu.memory_space<semaphore_mem>>
        %dma_start3A_90 = arith.constant 0 : i32
        %dma_start3A_91 = arith.constant 0 : i32
        %dma_start3A_92 = tpu.memref_slice %arg11[%dma_start3A_90, %dma_start3A_91] : memref<16x128xf32, #tpu.memory_space<vmem>> -> memref<16x128xf32, #tpu.memory_space<vmem>>
        %dma_start3A_93 = arith.constant 9984 : i32
        %dma_start3A_94 = arith.constant 0 : i32
        %dma_start3A_95 = tpu.memref_slice %arg6[%dma_start3A_93, %dma_start3A_94] : memref<10000x128xf32, #tpu.memory_space<vmem_shared>> -> memref<16x128xf32, #tpu.memory_space<vmem_shared>>
        %dma_start3A_96 = arith.constant 9984 : i32
        %dma_start3A_97 = arith.constant 0 : i32
        %dma_start3A_98 = tpu.memref_slice %arg6[%dma_start3A_96, %dma_start3A_97] : memref<10000x128xf32, #tpu.memory_space<vmem_shared>> -> memref<16x128xf32, #tpu.memory_space<vmem_shared>>
        %dma_start3A_99 = arith.constant 0 : i32
        %dma_start3A_100 = arith.constant 0 : i32
        %dma_start3A_101 = tpu.memref_slice %arg11[%dma_start3A_99, %dma_start3A_100] : memref<16x128xf32, #tpu.memory_space<vmem>> -> memref<16x128xf32, #tpu.memory_space<vmem>>
        tpu.enqueue_dma source(%dma_start3A_101 : memref<16x128xf32, #tpu.memory_space<vmem>>) target(%dma_start3A_98 : memref<16x128xf32, #tpu.memory_space<vmem_shared>>) target_semaphore(%run_scoped3A : memref<!tpu.dma_semaphore, #tpu.memory_space<semaphore_mem>>)
        %dma_wait3A_102 = arith.constant 0 : i32
        %dma_wait3A_103 = arith.constant 0 : i32
        %dma_wait3A_104 = tpu.memref_slice %arg11[%dma_wait3A_102, %dma_wait3A_103] : memref<16x128xf32, #tpu.memory_space<vmem>> -> memref<16x128xf32, #tpu.memory_space<vmem>>
        %dma_wait3A_105 = arith.constant 9984 : i32
        %dma_wait3A_106 = arith.constant 0 : i32
        %dma_wait3A_107 = tpu.memref_slice %arg6[%dma_wait3A_105, %dma_wait3A_106] : memref<10000x128xf32, #tpu.memory_space<vmem_shared>> -> memref<16x128xf32, #tpu.memory_space<vmem_shared>>
        %dma_wait3A_108 = arith.constant 9984 : i32
        %dma_wait3A_109 = arith.constant 0 : i32
        %dma_wait3A_110 = tpu.memref_slice %arg6[%dma_wait3A_108, %dma_wait3A_109] : memref<10000x128xf32, #tpu.memory_space<vmem_shared>> -> memref<16x128xf32, #tpu.memory_space<vmem_shared>>
        %dma_wait3A_111 = arith.constant 0 : i32
        %dma_wait3A_112 = arith.constant 0 : i32
        %dma_wait3A_113 = tpu.memref_slice %arg11[%dma_wait3A_111, %dma_wait3A_112] : memref<16x128xf32, #tpu.memory_space<vmem>> -> memref<16x128xf32, #tpu.memory_space<vmem>>
        tpu.wait_dma2 semaphore(%run_scoped3A : memref<!tpu.dma_semaphore, #tpu.memory_space<semaphore_mem>>) src(%dma_wait3A_113 : memref<16x128xf32, #tpu.memory_space<vmem>>) dst(%dma_wait3A_110 : memref<16x128xf32, #tpu.memory_space<vmem_shared>>)
        tpu.yield
      }) : () -> ()
    } else {
    }
    %scan3A_29 = arith.constant 0 : i32
    %scan3A_30 = arith.constant 39 : i32
    %scan3A_31 = arith.addi %scan3A_29, %scan3A_30 : i32
    %scan3A_32 = arith.constant 1 : i32
    scf.for %scan3A_90 = %scan3A_29 to %scan3A_31 step %scan3A_32  : i32 {
      %mul3A_91 = arith.constant 1 : i32
      %mul3A_92 = arith.muli %scan3A_90, %mul3A_91 : i32
      %add3A_93 = arith.constant 0 : i32
      %add3A_94 = arith.addi %add3A_93, %mul3A_92 : i32
      %mul3A_95 = arith.constant 624 : i32
      %mul3A_96 = arith.muli %arg1, %mul3A_95 : i32
      %mul3A_97 = arith.constant 16 : i32
      %mul3A_98 = arith.muli %add3A_94, %mul3A_97 : i32
      %add3A_99 = arith.addi %mul3A_96, %mul3A_98 : i32
      %dma_wait3A_100 = arith.constant 0 : i32
      %dma_wait3A_101 = tpu.memref_slice %arg6[%add3A_99, %dma_wait3A_100] : memref<10000x128xf32, #tpu.memory_space<vmem_shared>> -> memref<16x128xf32, #tpu.memory_space<vmem_shared>>
      %dma_wait3A_102 = arith.constant 0 : i32
      %dma_wait3A_103 = tpu.memref_slice %arg6[%add3A_99, %dma_wait3A_102] : memref<10000x128xf32, #tpu.memory_space<vmem_shared>> -> memref<16x128xf32, #tpu.memory_space<vmem_shared>>
      tpu.wait_dma2 semaphore(%arg13 : memref<!tpu.dma_semaphore, #tpu.memory_space<semaphore_mem>>) src(%arg11 : memref<16x128xf32, #tpu.memory_space<vmem>>) dst(%dma_wait3A_103 : memref<16x128xf32, #tpu.memory_space<vmem_shared>>)
    }
    %scan3A_33 = arith.constant 39 : i32
    %dma_wait3A = arith.constant 1 : i32
    %dma_wait3A_34 = arith.constant 0 : i32
    %dma_wait3A_35 = arith.constant 0 : i32
    %dma_wait3A_36 = tpu.memref_slice %arg3[%dma_wait3A, %add3A, %dma_wait3A_34, %dma_wait3A_35] : memref<2x32x125x80xi32, #tpu.memory_space<hbm>> -> memref<1x1x125x80xi32, #tpu.memory_space<hbm>>
    %dma_wait3A_37 = tpu.memref_squeeze %dma_wait3A_36 : memref<1x1x125x80xi32, #tpu.memory_space<hbm>> -> memref<125x80xi32, #tpu.memory_space<hbm>>
    %dma_wait3A_38 = arith.constant 0 : i32
    %dma_wait3A_39 = arith.constant 0 : i32
    %dma_wait3A_40 = tpu.memref_slice %arg3[%dma_wait3A, %add3A, %dma_wait3A_38, %dma_wait3A_39] : memref<2x32x125x80xi32, #tpu.memory_space<hbm>> -> memref<1x1x125x80xi32, #tpu.memory_space<hbm>>
    %dma_wait3A_41 = tpu.memref_squeeze %dma_wait3A_40 : memref<1x1x125x80xi32, #tpu.memory_space<hbm>> -> memref<125x80xi32, #tpu.memory_space<hbm>>
    tpu.wait_dma2 semaphore(%arg12 : memref<!tpu.dma_semaphore, #tpu.memory_space<semaphore_mem>>) src(%dma_wait3A_41 : memref<125x80xi32, #tpu.memory_space<hbm>>) dst(%arg9 : memref<125x80xi32, #tpu.memory_space<vmem>>)
    %barrier3A = arith.constant 0 : index
    tpu.barrier barrier_id(%barrier3A)
    %mul3A_42 = arith.constant 10000 : i32
    %mul3A_43 = arith.muli %add3A, %mul3A_42 : i32
    %add3A_44 = arith.constant 0 : i32
    %add3A_45 = arith.addi %mul3A_43, %add3A_44 : i32
    %dma_start3A_46 = arith.constant 0 : i32
    %dma_start3A_47 = tpu.memref_slice %arg2[%add3A_45, %dma_start3A_46] : memref<320000x128xf32, #tpu.memory_space<hbm>> -> memref<80x128xf32, #tpu.memory_space<hbm>>
    %dma_start3A_48 = arith.constant 0 : i32
    %dma_start3A_49 = tpu.memref_slice %arg2[%add3A_45, %dma_start3A_48] : memref<320000x128xf32, #tpu.memory_space<hbm>> -> memref<80x128xf32, #tpu.memory_space<hbm>>
    tpu.enqueue_dma source(%dma_start3A_49 : memref<80x128xf32, #tpu.memory_space<hbm>>) target(%arg7 : memref<80x128xf32, #tpu.memory_space<vmem>>) target_semaphore(%arg12 : memref<!tpu.dma_semaphore, #tpu.memory_space<semaphore_mem>>)
    %scan3A_50 = arith.constant 0 : i32
    %scan3A_51 = arith.constant 62 : i32
    %scan3A_52 = arith.addi %scan3A_50, %scan3A_51 : i32
    %scan3A_53 = arith.constant 1 : i32
    scf.for %scan3A_90 = %scan3A_50 to %scan3A_52 step %scan3A_53  : i32 {
      %mul3A_91 = arith.constant 2 : i32
      %mul3A_92 = arith.muli %scan3A_90, %mul3A_91 : i32
      %add3A_93 = arith.constant 0 : i32
      %add3A_94 = arith.addi %add3A_93, %mul3A_92 : i32
      %add3A_95 = arith.constant 1 : i32
      %add3A_96 = arith.addi %add3A_94, %add3A_95 : i32
      %mul3A_97 = arith.constant 80 : i32
      %mul3A_98 = arith.muli %add3A_96, %mul3A_97 : i32
      %add3A_99 = arith.addi %mul3A_43, %mul3A_98 : i32
      %dma_start3A_100 = arith.constant 0 : i32
      %dma_start3A_101 = tpu.memref_slice %arg2[%add3A_99, %dma_start3A_100] : memref<320000x128xf32, #tpu.memory_space<hbm>> -> memref<80x128xf32, #tpu.memory_space<hbm>>
      %dma_start3A_102 = arith.constant 0 : i32
      %dma_start3A_103 = tpu.memref_slice %arg2[%add3A_99, %dma_start3A_102] : memref<320000x128xf32, #tpu.memory_space<hbm>> -> memref<80x128xf32, #tpu.memory_space<hbm>>
      tpu.enqueue_dma source(%dma_start3A_103 : memref<80x128xf32, #tpu.memory_space<hbm>>) target(%arg8 : memref<80x128xf32, #tpu.memory_space<vmem>>) target_semaphore(%arg13 : memref<!tpu.dma_semaphore, #tpu.memory_space<semaphore_mem>>)
      %mul3A_104 = arith.constant 80 : i32
      %mul3A_105 = arith.muli %add3A_94, %mul3A_104 : i32
      %add3A_106 = arith.addi %mul3A_43, %mul3A_105 : i32
      %dma_wait3A_107 = arith.constant 0 : i32
      %dma_wait3A_108 = tpu.memref_slice %arg2[%add3A_106, %dma_wait3A_107] : memref<320000x128xf32, #tpu.memory_space<hbm>> -> memref<80x128xf32, #tpu.memory_space<hbm>>
      %dma_wait3A_109 = arith.constant 0 : i32
      %dma_wait3A_110 = tpu.memref_slice %arg2[%add3A_106, %dma_wait3A_109] : memref<320000x128xf32, #tpu.memory_space<hbm>> -> memref<80x128xf32, #tpu.memory_space<hbm>>
      tpu.wait_dma2 semaphore(%arg12 : memref<!tpu.dma_semaphore, #tpu.memory_space<semaphore_mem>>) src(%dma_wait3A_110 : memref<80x128xf32, #tpu.memory_space<hbm>>) dst(%arg7 : memref<80x128xf32, #tpu.memory_space<vmem>>)
      %dma_start3A_111 = arith.constant 0 : i32
      %dma_start3A_112 = tpu.memref_slice %arg9[%add3A_94, %dma_start3A_111] : memref<125x80xi32, #tpu.memory_space<vmem>> -> memref<1x80xi32, #tpu.memory_space<vmem>>
      %dma_start3A_113 = tpu.memref_squeeze %dma_start3A_112 : memref<1x80xi32, #tpu.memory_space<vmem>> -> memref<80xi32, #tpu.memory_space<vmem>>
      %dma_start3A_114 = arith.constant 0 : i32
      %dma_start3A_115 = arith.constant 0 : i32
      %dma_start3A_116 = tpu.memref_slice %arg6[%dma_start3A_114, %dma_start3A_115] : memref<10000x128xf32, #tpu.memory_space<vmem_shared>> -> memref<10000x128xf32, #tpu.memory_space<vmem_shared>>
      tpu.enqueue_indirect_dma source(%arg7 : memref<80x128xf32, #tpu.memory_space<vmem>>) target(%dma_start3A_116 : memref<10000x128xf32, #tpu.memory_space<vmem_shared>>) offsets(%dma_start3A_113 : memref<80xi32, #tpu.memory_space<vmem>>) semaphore(%arg14 : memref<!tpu.dma_semaphore, #tpu.memory_space<semaphore_mem>>) {add = true}
      %scan3A_117 = arith.constant 0 : i32
      %scan3A_118 = arith.constant 5 : i32
      %scan3A_119 = arith.addi %scan3A_117, %scan3A_118 : i32
      %scan3A_120 = arith.constant 1 : i32
      scf.for %scan3A_163 = %scan3A_117 to %scan3A_119 step %scan3A_120  : i32 {
        %mul3A_164 = arith.constant 1 : i32
        %mul3A_165 = arith.muli %scan3A_163, %mul3A_164 : i32
        %add3A_166 = arith.constant 0 : i32
        %add3A_167 = arith.addi %add3A_166, %mul3A_165 : i32
        %mul3A_168 = arith.constant 16 : i32
        %mul3A_169 = arith.muli %add3A_167, %mul3A_168 : i32
        %get3A = arith.index_cast %add3A_94 : i32 to index
        %get3A_170 = arith.index_cast %mul3A_169 : i32 to index
        %get3A_171 = tpu.vector_load %arg9[%get3A, %get3A_170] {strides = array<i32>} : memref<125x80xi32, #tpu.memory_space<vmem>>, vector<16xi32>,
        tpu.vector_store_idx %arg10[%get3A_171], %add3A_4 {add = true} : memref<10000xf32, #tpu.memory_space<vmem>>[vector<16xi32>], vector<16xf32>,
      }
      %scan3A_121 = arith.constant 5 : i32
      %dma_wait3A_122 = arith.constant 0 : i32
      %dma_wait3A_123 = tpu.memref_slice %arg9[%add3A_94, %dma_wait3A_122] : memref<125x80xi32, #tpu.memory_space<vmem>> -> memref<1x80xi32, #tpu.memory_space<vmem>>
      %dma_wait3A_124 = tpu.memref_squeeze %dma_wait3A_123 : memref<1x80xi32, #tpu.memory_space<vmem>> -> memref<80xi32, #tpu.memory_space<vmem>>
      %dma_wait3A_125 = arith.constant 0 : i32
      %dma_wait3A_126 = arith.constant 0 : i32
      %dma_wait3A_127 = tpu.memref_slice %arg6[%dma_wait3A_125, %dma_wait3A_126] : memref<10000x128xf32, #tpu.memory_space<vmem_shared>> -> memref<10000x128xf32, #tpu.memory_space<vmem_shared>>
      tpu.wait_indirect_dma semaphore(%arg14 : memref<!tpu.dma_semaphore, #tpu.memory_space<semaphore_mem>>) src(%arg7 : memref<80x128xf32, #tpu.memory_space<vmem>>) dst(%dma_wait3A_127 : memref<10000x128xf32, #tpu.memory_space<vmem_shared>>)
      %add3A_128 = arith.constant 2 : i32
      %add3A_129 = arith.addi %add3A_94, %add3A_128 : i32
      %mul3A_130 = arith.constant 80 : i32
      %mul3A_131 = arith.muli %add3A_129, %mul3A_130 : i32
      %add3A_132 = arith.addi %mul3A_43, %mul3A_131 : i32
      %dma_start3A_133 = arith.constant 0 : i32
      %dma_start3A_134 = tpu.memref_slice %arg2[%add3A_132, %dma_start3A_133] : memref<320000x128xf32, #tpu.memory_space<hbm>> -> memref<80x128xf32, #tpu.memory_space<hbm>>
      %dma_start3A_135 = arith.constant 0 : i32
      %dma_start3A_136 = tpu.memref_slice %arg2[%add3A_132, %dma_start3A_135] : memref<320000x128xf32, #tpu.memory_space<hbm>> -> memref<80x128xf32, #tpu.memory_space<hbm>>
      tpu.enqueue_dma source(%dma_start3A_136 : memref<80x128xf32, #tpu.memory_space<hbm>>) target(%arg7 : memref<80x128xf32, #tpu.memory_space<vmem>>) target_semaphore(%arg12 : memref<!tpu.dma_semaphore, #tpu.memory_space<semaphore_mem>>)
      %add3A_137 = arith.constant 1 : i32
      %add3A_138 = arith.addi %add3A_94, %add3A_137 : i32
      %mul3A_139 = arith.constant 80 : i32
      %mul3A_140 = arith.muli %add3A_138, %mul3A_139 : i32
      %add3A_141 = arith.addi %mul3A_43, %mul3A_140 : i32
      %dma_wait3A_142 = arith.constant 0 : i32
      %dma_wait3A_143 = tpu.memref_slice %arg2[%add3A_141, %dma_wait3A_142] : memref<320000x128xf32, #tpu.memory_space<hbm>> -> memref<80x128xf32, #tpu.memory_space<hbm>>
      %dma_wait3A_144 = arith.constant 0 : i32
      %dma_wait3A_145 = tpu.memref_slice %arg2[%add3A_141, %dma_wait3A_144] : memref<320000x128xf32, #tpu.memory_space<hbm>> -> memref<80x128xf32, #tpu.memory_space<hbm>>
      tpu.wait_dma2 semaphore(%arg13 : memref<!tpu.dma_semaphore, #tpu.memory_space<semaphore_mem>>) src(%dma_wait3A_145 : memref<80x128xf32, #tpu.memory_space<hbm>>) dst(%arg8 : memref<80x128xf32, #tpu.memory_space<vmem>>)
      %dma_start3A_146 = arith.constant 0 : i32
      %dma_start3A_147 = tpu.memref_slice %arg9[%add3A_138, %dma_start3A_146] : memref<125x80xi32, #tpu.memory_space<vmem>> -> memref<1x80xi32, #tpu.memory_space<vmem>>
      %dma_start3A_148 = tpu.memref_squeeze %dma_start3A_147 : memref<1x80xi32, #tpu.memory_space<vmem>> -> memref<80xi32, #tpu.memory_space<vmem>>
      %dma_start3A_149 = arith.constant 0 : i32
      %dma_start3A_150 = arith.constant 0 : i32
      %dma_start3A_151 = tpu.memref_slice %arg6[%dma_start3A_149, %dma_start3A_150] : memref<10000x128xf32, #tpu.memory_space<vmem_shared>> -> memref<10000x128xf32, #tpu.memory_space<vmem_shared>>
      tpu.enqueue_indirect_dma source(%arg8 : memref<80x128xf32, #tpu.memory_space<vmem>>) target(%dma_start3A_151 : memref<10000x128xf32, #tpu.memory_space<vmem_shared>>) offsets(%dma_start3A_148 : memref<80xi32, #tpu.memory_space<vmem>>) semaphore(%arg14 : memref<!tpu.dma_semaphore, #tpu.memory_space<semaphore_mem>>) {add = true}
      %scan3A_152 = arith.constant 0 : i32
      %scan3A_153 = arith.constant 5 : i32
      %scan3A_154 = arith.addi %scan3A_152, %scan3A_153 : i32
      %scan3A_155 = arith.constant 1 : i32
      scf.for %scan3A_163 = %scan3A_152 to %scan3A_154 step %scan3A_155  : i32 {
        %mul3A_164 = arith.constant 1 : i32
        %mul3A_165 = arith.muli %scan3A_163, %mul3A_164 : i32
        %add3A_166 = arith.constant 0 : i32
        %add3A_167 = arith.addi %add3A_166, %mul3A_165 : i32
        %mul3A_168 = arith.constant 16 : i32
        %mul3A_169 = arith.muli %add3A_167, %mul3A_168 : i32
        %get3A = arith.index_cast %add3A_138 : i32 to index
        %get3A_170 = arith.index_cast %mul3A_169 : i32 to index
        %get3A_171 = tpu.vector_load %arg9[%get3A, %get3A_170] {strides = array<i32>} : memref<125x80xi32, #tpu.memory_space<vmem>>, vector<16xi32>,
        tpu.vector_store_idx %arg10[%get3A_171], %add3A_4 {add = true} : memref<10000xf32, #tpu.memory_space<vmem>>[vector<16xi32>], vector<16xf32>,
      }
      %scan3A_156 = arith.constant 5 : i32
      %dma_wait3A_157 = arith.constant 0 : i32
      %dma_wait3A_158 = tpu.memref_slice %arg9[%add3A_138, %dma_wait3A_157] : memref<125x80xi32, #tpu.memory_space<vmem>> -> memref<1x80xi32, #tpu.memory_space<vmem>>
      %dma_wait3A_159 = tpu.memref_squeeze %dma_wait3A_158 : memref<1x80xi32, #tpu.memory_space<vmem>> -> memref<80xi32, #tpu.memory_space<vmem>>
      %dma_wait3A_160 = arith.constant 0 : i32
      %dma_wait3A_161 = arith.constant 0 : i32
      %dma_wait3A_162 = tpu.memref_slice %arg6[%dma_wait3A_160, %dma_wait3A_161] : memref<10000x128xf32, #tpu.memory_space<vmem_shared>> -> memref<10000x128xf32, #tpu.memory_space<vmem_shared>>
      tpu.wait_indirect_dma semaphore(%arg14 : memref<!tpu.dma_semaphore, #tpu.memory_space<semaphore_mem>>) src(%arg8 : memref<80x128xf32, #tpu.memory_space<vmem>>) dst(%dma_wait3A_162 : memref<10000x128xf32, #tpu.memory_space<vmem_shared>>)
    }
    %scan3A_54 = arith.constant 62 : i32
    %add3A_55 = arith.constant 9920 : i32
    %add3A_56 = arith.addi %mul3A_43, %add3A_55 : i32
    %dma_wait3A_57 = arith.constant 0 : i32
    %dma_wait3A_58 = tpu.memref_slice %arg2[%add3A_56, %dma_wait3A_57] : memref<320000x128xf32, #tpu.memory_space<hbm>> -> memref<80x128xf32, #tpu.memory_space<hbm>>
    %dma_wait3A_59 = arith.constant 0 : i32
    %dma_wait3A_60 = tpu.memref_slice %arg2[%add3A_56, %dma_wait3A_59] : memref<320000x128xf32, #tpu.memory_space<hbm>> -> memref<80x128xf32, #tpu.memory_space<hbm>>
    tpu.wait_dma2 semaphore(%arg12 : memref<!tpu.dma_semaphore, #tpu.memory_space<semaphore_mem>>) src(%dma_wait3A_60 : memref<80x128xf32, #tpu.memory_space<hbm>>) dst(%arg7 : memref<80x128xf32, #tpu.memory_space<vmem>>)
    %dma_start3A_61 = arith.constant 124 : i32
    %dma_start3A_62 = arith.constant 0 : i32
    %dma_start3A_63 = tpu.memref_slice %arg9[%dma_start3A_61, %dma_start3A_62] : memref<125x80xi32, #tpu.memory_space<vmem>> -> memref<1x80xi32, #tpu.memory_space<vmem>>
    %dma_start3A_64 = tpu.memref_squeeze %dma_start3A_63 : memref<1x80xi32, #tpu.memory_space<vmem>> -> memref<80xi32, #tpu.memory_space<vmem>>
    %dma_start3A_65 = arith.constant 0 : i32
    %dma_start3A_66 = arith.constant 0 : i32
    %dma_start3A_67 = tpu.memref_slice %arg6[%dma_start3A_65, %dma_start3A_66] : memref<10000x128xf32, #tpu.memory_space<vmem_shared>> -> memref<10000x128xf32, #tpu.memory_space<vmem_shared>>
    tpu.enqueue_indirect_dma source(%arg7 : memref<80x128xf32, #tpu.memory_space<vmem>>) target(%dma_start3A_67 : memref<10000x128xf32, #tpu.memory_space<vmem_shared>>) offsets(%dma_start3A_64 : memref<80xi32, #tpu.memory_space<vmem>>) semaphore(%arg14 : memref<!tpu.dma_semaphore, #tpu.memory_space<semaphore_mem>>) {add = true}
    %scan3A_68 = arith.constant 0 : i32
    %scan3A_69 = arith.constant 5 : i32
    %scan3A_70 = arith.addi %scan3A_68, %scan3A_69 : i32
    %scan3A_71 = arith.constant 1 : i32
    scf.for %scan3A_90 = %scan3A_68 to %scan3A_70 step %scan3A_71  : i32 {
      %mul3A_91 = arith.constant 1 : i32
      %mul3A_92 = arith.muli %scan3A_90, %mul3A_91 : i32
      %add3A_93 = arith.constant 0 : i32
      %add3A_94 = arith.addi %add3A_93, %mul3A_92 : i32
      %mul3A_95 = arith.constant 16 : i32
      %mul3A_96 = arith.muli %add3A_94, %mul3A_95 : i32
      %get3A = arith.constant 124 : i32
      %get3A_97 = arith.index_cast %get3A : i32 to index
      %get3A_98 = arith.index_cast %mul3A_96 : i32 to index
      %get3A_99 = tpu.vector_load %arg9[%get3A_97, %get3A_98] {strides = array<i32>} : memref<125x80xi32, #tpu.memory_space<vmem>>, vector<16xi32>,
      tpu.vector_store_idx %arg10[%get3A_99], %add3A_4 {add = true} : memref<10000xf32, #tpu.memory_space<vmem>>[vector<16xi32>], vector<16xf32>,
    }
    %scan3A_72 = arith.constant 5 : i32
    %dma_wait3A_73 = arith.constant 124 : i32
    %dma_wait3A_74 = arith.constant 0 : i32
    %dma_wait3A_75 = tpu.memref_slice %arg9[%dma_wait3A_73, %dma_wait3A_74] : memref<125x80xi32, #tpu.memory_space<vmem>> -> memref<1x80xi32, #tpu.memory_space<vmem>>
    %dma_wait3A_76 = tpu.memref_squeeze %dma_wait3A_75 : memref<1x80xi32, #tpu.memory_space<vmem>> -> memref<80xi32, #tpu.memory_space<vmem>>
    %dma_wait3A_77 = arith.constant 0 : i32
    %dma_wait3A_78 = arith.constant 0 : i32
    %dma_wait3A_79 = tpu.memref_slice %arg6[%dma_wait3A_77, %dma_wait3A_78] : memref<10000x128xf32, #tpu.memory_space<vmem_shared>> -> memref<10000x128xf32, #tpu.memory_space<vmem_shared>>
    tpu.wait_indirect_dma semaphore(%arg14 : memref<!tpu.dma_semaphore, #tpu.memory_space<semaphore_mem>>) src(%arg7 : memref<80x128xf32, #tpu.memory_space<vmem>>) dst(%dma_wait3A_79 : memref<10000x128xf32, #tpu.memory_space<vmem_shared>>)
    "tpu.region"() ({
      %run_scoped3A = tpu.sem_alloc : memref<!tpu.dma_semaphore, #tpu.memory_space<semaphore_mem>>
      %dma_start3A_90 = arith.constant 0 : i32
      %dma_start3A_91 = tpu.memref_slice %arg5[%arg0, %arg1, %dma_start3A_90] : memref<2x16x10000xf32, #tpu.memory_space<hbm>> -> memref<1x1x10000xf32, #tpu.memory_space<hbm>>
      %dma_start3A_92 = tpu.memref_squeeze %dma_start3A_91 : memref<1x1x10000xf32, #tpu.memory_space<hbm>> -> memref<10000xf32, #tpu.memory_space<hbm>>
      %dma_start3A_93 = arith.constant 0 : i32
      %dma_start3A_94 = tpu.memref_slice %arg5[%arg0, %arg1, %dma_start3A_93] : memref<2x16x10000xf32, #tpu.memory_space<hbm>> -> memref<1x1x10000xf32, #tpu.memory_space<hbm>>
      %dma_start3A_95 = tpu.memref_squeeze %dma_start3A_94 : memref<1x1x10000xf32, #tpu.memory_space<hbm>> -> memref<10000xf32, #tpu.memory_space<hbm>>
      tpu.enqueue_dma source(%arg10 : memref<10000xf32, #tpu.memory_space<vmem>>) target(%dma_start3A_95 : memref<10000xf32, #tpu.memory_space<hbm>>) target_semaphore(%run_scoped3A : memref<!tpu.dma_semaphore, #tpu.memory_space<semaphore_mem>>)
      %dma_wait3A_96 = arith.constant 0 : i32
      %dma_wait3A_97 = tpu.memref_slice %arg5[%arg0, %arg1, %dma_wait3A_96] : memref<2x16x10000xf32, #tpu.memory_space<hbm>> -> memref<1x1x10000xf32, #tpu.memory_space<hbm>>
      %dma_wait3A_98 = tpu.memref_squeeze %dma_wait3A_97 : memref<1x1x10000xf32, #tpu.memory_space<hbm>> -> memref<10000xf32, #tpu.memory_space<hbm>>
      %dma_wait3A_99 = arith.constant 0 : i32
      %dma_wait3A_100 = tpu.memref_slice %arg5[%arg0, %arg1, %dma_wait3A_99] : memref<2x16x10000xf32, #tpu.memory_space<hbm>> -> memref<1x1x10000xf32, #tpu.memory_space<hbm>>
      %dma_wait3A_101 = tpu.memref_squeeze %dma_wait3A_100 : memref<1x1x10000xf32, #tpu.memory_space<hbm>> -> memref<10000xf32, #tpu.memory_space<hbm>>
      tpu.wait_dma2 semaphore(%run_scoped3A : memref<!tpu.dma_semaphore, #tpu.memory_space<semaphore_mem>>) src(%arg10 : memref<10000xf32, #tpu.memory_space<vmem>>) dst(%dma_wait3A_101 : memref<10000xf32, #tpu.memory_space<hbm>>)
      tpu.yield
    }) : () -> ()
    %barrier3A_80 = arith.constant 0 : index
    tpu.barrier barrier_id(%barrier3A_80)
    %mul3A_81 = arith.constant 624 : i32
    %mul3A_82 = arith.muli %arg1, %mul3A_81 : i32
    %mul3A_83 = arith.constant 624 : i32
    %mul3A_84 = arith.muli %arg1, %mul3A_83 : i32
    "tpu.region"() ({
      %run_scoped3A = tpu.sem_alloc : memref<!tpu.dma_semaphore, #tpu.memory_space<semaphore_mem>>
      %dma_start3A_90 = arith.constant 0 : i32
      %dma_start3A_91 = tpu.memref_slice %arg4[%arg0, %mul3A_84, %dma_start3A_90] : memref<2x10000x128xf32, #tpu.memory_space<hbm>> -> memref<1x624x128xf32, #tpu.memory_space<hbm>>
      %dma_start3A_92 = tpu.memref_squeeze %dma_start3A_91 : memref<1x624x128xf32, #tpu.memory_space<hbm>> -> memref<624x128xf32, #tpu.memory_space<hbm>>
      %dma_start3A_93 = arith.constant 0 : i32
      %dma_start3A_94 = tpu.memref_slice %arg6[%mul3A_82, %dma_start3A_93] : memref<10000x128xf32, #tpu.memory_space<vmem_shared>> -> memref<624x128xf32, #tpu.memory_space<vmem_shared>>
      tpu.enqueue_dma source(%dma_start3A_94 : memref<624x128xf32, #tpu.memory_space<vmem_shared>>) target(%dma_start3A_92 : memref<624x128xf32, #tpu.memory_space<hbm>>) target_semaphore(%run_scoped3A : memref<!tpu.dma_semaphore, #tpu.memory_space<semaphore_mem>>)
      %dma_wait3A_95 = arith.constant 0 : i32
      %dma_wait3A_96 = tpu.memref_slice %arg4[%arg0, %mul3A_84, %dma_wait3A_95] : memref<2x10000x128xf32, #tpu.memory_space<hbm>> -> memref<1x624x128xf32, #tpu.memory_space<hbm>>
      %dma_wait3A_97 = tpu.memref_squeeze %dma_wait3A_96 : memref<1x624x128xf32, #tpu.memory_space<hbm>> -> memref<624x128xf32, #tpu.memory_space<hbm>>
      %dma_wait3A_98 = arith.constant 0 : i32
      %dma_wait3A_99 = tpu.memref_slice %arg6[%mul3A_82, %dma_wait3A_98] : memref<10000x128xf32, #tpu.memory_space<vmem_shared>> -> memref<624x128xf32, #tpu.memory_space<vmem_shared>>
      tpu.wait_dma2 semaphore(%run_scoped3A : memref<!tpu.dma_semaphore, #tpu.memory_space<semaphore_mem>>) src(%dma_wait3A_99 : memref<624x128xf32, #tpu.memory_space<vmem_shared>>) dst(%dma_wait3A_97 : memref<624x128xf32, #tpu.memory_space<hbm>>)
      tpu.yield
    }) : () -> ()
    %eq3A_85 = arith.constant 15 : i32
    %eq3A_86 = arith.cmpi eq, %arg1, %eq3A_85 : i32
    %convert_element_type3A_87 = arith.extui %eq3A_86 : i1 to i32
    %cond3A_88 = arith.constant 0 : i32
    %cond3A_89 = arith.cmpi ne, %convert_element_type3A_87, %cond3A_88 : i32
    scf.if %cond3A_89 {
      "tpu.region"() ({
        %run_scoped3A = tpu.sem_alloc : memref<!tpu.dma_semaphore, #tpu.memory_space<semaphore_mem>>
        %dma_start3A_90 = arith.constant 9984 : i32
        %dma_start3A_91 = arith.constant 0 : i32
        %dma_start3A_92 = tpu.memref_slice %arg4[%arg0, %dma_start3A_90, %dma_start3A_91] : memref<2x10000x128xf32, #tpu.memory_space<hbm>> -> memref<1x16x128xf32, #tpu.memory_space<hbm>>
        %dma_start3A_93 = tpu.memref_squeeze %dma_start3A_92 : memref<1x16x128xf32, #tpu.memory_space<hbm>> -> memref<16x128xf32, #tpu.memory_space<hbm>>
        %dma_start3A_94 = arith.constant 9984 : i32
        %dma_start3A_95 = arith.constant 0 : i32
        %dma_start3A_96 = tpu.memref_slice %arg6[%dma_start3A_94, %dma_start3A_95] : memref<10000x128xf32, #tpu.memory_space<vmem_shared>> -> memref<16x128xf32, #tpu.memory_space<vmem_shared>>
        tpu.enqueue_dma source(%dma_start3A_96 : memref<16x128xf32, #tpu.memory_space<vmem_shared>>) target(%dma_start3A_93 : memref<16x128xf32, #tpu.memory_space<hbm>>) target_semaphore(%run_scoped3A : memref<!tpu.dma_semaphore, #tpu.memory_space<semaphore_mem>>)
        %dma_wait3A_97 = arith.constant 9984 : i32
        %dma_wait3A_98 = arith.constant 0 : i32
        %dma_wait3A_99 = tpu.memref_slice %arg4[%arg0, %dma_wait3A_97, %dma_wait3A_98] : memref<2x10000x128xf32, #tpu.memory_space<hbm>> -> memref<1x16x128xf32, #tpu.memory_space<hbm>>
        %dma_wait3A_100 = tpu.memref_squeeze %dma_wait3A_99 : memref<1x16x128xf32, #tpu.memory_space<hbm>> -> memref<16x128xf32, #tpu.memory_space<hbm>>
        %dma_wait3A_101 = arith.constant 9984 : i32
        %dma_wait3A_102 = arith.constant 0 : i32
        %dma_wait3A_103 = tpu.memref_slice %arg6[%dma_wait3A_101, %dma_wait3A_102] : memref<10000x128xf32, #tpu.memory_space<vmem_shared>> -> memref<16x128xf32, #tpu.memory_space<vmem_shared>>
        tpu.wait_dma2 semaphore(%run_scoped3A : memref<!tpu.dma_semaphore, #tpu.memory_space<semaphore_mem>>) src(%dma_wait3A_103 : memref<16x128xf32, #tpu.memory_space<vmem_shared>>) dst(%dma_wait3A_100 : memref<16x128xf32, #tpu.memory_space<hbm>>)
        tpu.yield
      }) : () -> ()
    } else {
    }
    return
  }
}

module attributes {stable_mosaic.version = 14 : i64} {
  func.func @_tc_merge(%arg0: memref<2x10000x128xf32, #tpu.memory_space<vmem>>, %arg1: memref<32x10000xf32, #tpu.memory_space<vmem>>, %arg2: memref<10000x128xf32, #tpu.memory_space<vmem>>) attributes {dimension_semantics = [], scalar_prefetch = 0 : i64, scratch_operands = 0 : i64, tpu.core_type = #tpu.core_type<tc>} {
    %get3A = arith.constant 0 : index
    %get3A_0 = arith.constant 0 : index
    %get3A_1 = arith.constant 0 : index
    %get3A_2 = vector.load %arg0[%get3A, %get3A_0, %get3A_1] : memref<2x10000x128xf32, #tpu.memory_space<vmem>>, vector<1x10000x128xf32>
    %get3A_3 = vector.shape_cast %get3A_2 : vector<1x10000x128xf32> to vector<10000x128xf32>
    %get3A_4 = arith.constant 1 : index
    %get3A_5 = arith.constant 0 : index
    %get3A_6 = arith.constant 0 : index
    %get3A_7 = vector.load %arg0[%get3A_4, %get3A_5, %get3A_6] : memref<2x10000x128xf32, #tpu.memory_space<vmem>>, vector<1x10000x128xf32>
    %get3A_8 = vector.shape_cast %get3A_7 : vector<1x10000x128xf32> to vector<10000x128xf32>
    %add3A = arith.addf %get3A_3, %get3A_8 : vector<10000x128xf32>
    %broadcast_in_dim3A = arith.constant 1.000000e+00 : f32
    %broadcast_in_dim3A_9 = vector.broadcast %broadcast_in_dim3A : f32 to vector<32x128xf32>
    %get3A_10 = arith.constant 0 : index
    %get3A_11 = arith.constant 0 : index
    %get3A_12 = vector.load %arg1[%get3A_10, %get3A_11] : memref<32x10000xf32, #tpu.memory_space<vmem>>, vector<32x10000xf32>
    %dot_general3A = arith.constant dense<0.000000e+00> : vector<10000x128xf32>
    %dot_general3A_13 = tpu.matmul %get3A_12, %broadcast_in_dim3A_9, %dot_general3A {dimension_numbers = #tpu.dot_dimension_numbers<[0], [0], [1], [1], [0, 1, 1, 1], [], []>, transpose_lhs_hint = false} : vector<32x10000xf32>, vector<32x128xf32>, vector<10000x128xf32> -> vector<10000x128xf32>
    %add3A_14 = arith.constant 1.000000e-16 : f32
    %add3A_15 = vector.broadcast %add3A_14 : f32 to vector<10000x128xf32>
    %add3A_16 = arith.addf %dot_general3A_13, %add3A_15 : vector<10000x128xf32>
    %div3A = arith.divf %add3A, %add3A_16 : vector<10000x128xf32>
    %swap3A = arith.constant 0 : index
    %swap3A_17 = arith.constant 0 : index
    %swap3A_18 = vector.load %arg2[%swap3A, %swap3A_17] : memref<10000x128xf32, #tpu.memory_space<vmem>>, vector<10000x128xf32>
    tpu.vector_store %arg2[%swap3A, %swap3A_17], %div3A {strides = array<i32>} : memref<10000x128xf32, #tpu.memory_space<vmem>>, vector<10000x128xf32>,
    return
  }
}

</mosaic_0001>

<sc_bundles>
// kernel: kernel.4.cloned.1.call-start
scs
__scs_entry_jumppad:
0x0: {  	(pc) =	sbr.rel $0x88, $3  }
0x1: {  	(tag) =	ssettag $0x0;
	lr =	simm.s32 $0x1  }
0x2: {  	[smem:$0x3F9F] =	sst lr;
	_ =	strace $0xD0000000  }
0x3: {  	_ = 	snop  }
0x4: {  	_ = 	snop  }
0x5: {  	_ = 	snop  }
0x6: {  	_ = 	snop  }
0x7: {  	_ = 	snop  }
__scs_overlays_trampoline_lowered:
0x8: {  	[smem:$0x3FAE] =	sst s0  }
0x9: {  	[smem:$0x3FAF] =	sst s1  }
0xa: {  	[smem:$0x3FB0] =	sst s2  }
0xb: {  	[smem:$0x3FB1] =	sst s3  }
0xc: {  	[smem:$0x3FB2] =	sst s4  }
0xd: {  	[smem:$0x3FB3] =	sst s5  }
0xe: {  	[smem:$0x3FB4] =	sst s6  }
0xf: {  	[smem:$0x3FB5] =	sst s7  }
0x10: {  	[smem:$0x3FB6] =	sst s8  }
0x11: {  	[smem:$0x3FB7] =	sst s9;
	s0 =	simm.s32 @!p0 $0x0  }
0x12: {  	s1 =	sld [smem:$0x3F9D];
	s0 =	simm.s32 @p0 $0x1  }
0x13: {  	[smem:$0x3FB8] =	sst s0;
	s0 =	simm.s32 @!p1 $0x0  }
0x14: {  	s2 =	sld [smem:$0x3F9C];
	s0 =	simm.s32 @p1 $0x1  }
0x15: {  	[smem:$0x3FB9] =	sst s0;
	s0 =	simm.s32 @!p2 $0x0  }
0x16: {  	s3 =	sld [smem:$0x3FDB];
	s0 =	simm.s32 @p2 $0x1  }
0x17: {  	s4 =	simm.s32 $0x1BF5;
	[smem:$0x3FBB] =	sst s0  }
0x18: {  	s0 =	sld [smem:$0x3F9E];
	_ =	swait.ge [sflag:s4], $0x0  }
0x19: {  	s7 =	sld [smem:$0x3F9F]  }
0x1a: {  	s8 =	sadd.s32 $0xFFFFE003, lr  }
0x1b: {  	s9 =	sadd.s32 $0xFFFFFEF7, lr;
	s5 =	simm.s32 $0xFFFFFFFF;
	p2 =	slt.u32 s8, $0xFFFFF086  }
0x1c: {  	p1 =	slt.u32 s9, $0xF7A;
	s5 =	simm.s32 @!p2 $0x0  }
0x1d: {  	s5 =	simm.s32 @p1 $0x1;
	p0 =	seq.s32 s7, s2  }
0x1e: {  	s7 =	smul.u32 @!p0 $0xF7A, s2;
	p2 =	seq.s32 @!p0 s5, $0x0  }
0x1f: {  	s9 =	smul.u32 $0xF7A, s1;
	s8 =	simm.s32 @!p0 $0x1BF5;
	p2 =	por !p2, p0  }
0x20: {  	[sflag:s8] =	ssyncset.s32 @!p0 $0xFFFFF086;
	s6 =	sadd.s32 @!p0 s3, s7;
	s7 =	simm.s32 @!p0 $0x108  }
0x21: {  	s3 =	sadd.s32 s3, s9;
	s6 =	sadd.s32 @!p0 $0x88, s6;
	s7 =	simm.s32 @p2 $0x1082  }
0x22: {  	[simem:s7], [sflag:s8] =	dma.local @!p0 [hbm:s6], $0xF7A  }
0x23: {  	s9 =	sor.u32 $0xD0000000, s2;
	s6 =	simm.s32 $0x108;
	_ =	swait.ge @!p0 [sflag:s8], $0x0  }
0x24: {  	s3 =	sadd.s32 $0x88, s3;
	s6 =	simm.s32 @!p1 $0x1082;
	[sflag:s4] =	ssyncset.s32 $0xFFFFF086  }
0x25: {  	[simem:s6], [sflag:s4] =	dma.local [hbm:s3], $0xF7A  }
0x26: {  	[smem:$0x3F9F] =	sst s1;
	(tag) =	ssettag s2;
	_ =	strace s9  }
0x27: {  	s1 =	sld [smem:$0x3FAF]  }
0x28: {  	s2 =	sld [smem:$0x3FB0]  }
0x29: {  	s4 =	sld [smem:$0x3FB2]  }
0x2a: {  	p0 =	seq.s32 s5, $0x0;
	s5 =	sld [smem:$0x3FB3]  }
0x2b: {  	s6 =	sld [smem:$0x3FB4]  }
0x2c: {  	s7 =	sld [smem:$0x3FB5]  }
0x2d: {  	s3 =	simm.s32 $0x108;
	s8 =	sld [smem:$0x3FB6]  }
0x2e: {  	s3 =	simm.s32 @!p0 $0x1082;
	s9 =	sld [smem:$0x3FB7]  }
0x2f: {  	lr =	sadd.s32 s0, s3;
	s0 =	sld [smem:$0x3FAE]  }
0x30: {  	s3 =	sld [smem:$0x3FB1]  }
0x31: {  	[smem:$0x3FBA] =	sst s10  }
0x32: {  	s10 =	sld [smem:$0x3FB8];
	_ =	sdelay $0x3  }
0x33: {  	p0 =	seq.s32 s10, $0x1;
	s10 =	sld [smem:$0x3FBA];
	_ =	sdelay $0x3  }
0x34: {  	[smem:$0x3FBA] =	sst s10  }
0x35: {  	s10 =	sld [smem:$0x3FB9];
	_ =	sdelay $0x3  }
0x36: {  	p1 =	seq.s32 s10, $0x1;
	s10 =	sld [smem:$0x3FBA];
	_ =	sdelay $0x3  }
0x37: {  	[smem:$0x3FBA] =	sst s10  }
0x38: {  	s10 =	sld [smem:$0x3FBB]  }
0x39: {  	_ = 	snop;
	(pc) =	sbr.ind lr, $3  }
0x3a: {  	_ = 	snop  }
0x3b: {  	_ = 	snop  }
0x3c: {  	p2 =	seq.s32 s10, $0x1;
	s10 =	sld [smem:$0x3FBA]  }
0x3d: {  	_ =	shalt  }
0x3e: {  	_ =	shalt  }
0x3f: {  	_ =	shalt  }
0x40: {  	_ =	shalt  }
0x41: {  	_ =	shalt  }
0x42: {  	_ =	shalt  }
0x43: {  	_ =	shalt  }
0x44: {  	_ =	shalt  }
0x45: {  	_ =	shalt  }
0x46: {  	_ =	shalt  }
0x47: {  	_ =	shalt  }
0x48: {  	_ =	shalt  }
0x49: {  	_ =	shalt  }
0x4a: {  	_ =	shalt  }
0x4b: {  	_ =	shalt  }
0x4c: {  	_ =	shalt  }
0x4d: {  	_ =	shalt  }
0x4e: {  	_ =	shalt  }
0x4f: {  	_ =	shalt  }
0x50: {  	_ =	shalt  }
0x51: {  	_ =	shalt  }
0x52: {  	_ =	shalt  }
0x53: {  	_ =	shalt  }
0x54: {  	_ =	shalt  }
0x55: {  	_ =	shalt  }
0x56: {  	_ =	shalt  }
0x57: {  	_ =	shalt  }
0x58: {  	_ =	shalt  }
0x59: {  	_ =	shalt  }
0x5a: {  	_ =	shalt  }
0x5b: {  	_ =	shalt  }
0x5c: {  	_ =	shalt  }
0x5d: {  	_ =	shalt  }
0x5e: {  	_ =	shalt  }
0x5f: {  	_ =	shalt  }
0x60: {  	_ =	shalt  }
0x61: {  	_ =	shalt  }
0x62: {  	_ =	shalt  }
0x63: {  	_ =	shalt  }
0x64: {  	_ =	shalt  }
0x65: {  	_ =	shalt  }
0x66: {  	_ =	shalt  }
0x67: {  	_ =	shalt  }
0x68: {  	_ =	shalt  }
0x69: {  	_ =	shalt  }
0x6a: {  	_ =	shalt  }
0x6b: {  	_ =	shalt  }
0x6c: {  	_ =	shalt  }
0x6d: {  	_ =	shalt  }
0x6e: {  	_ =	shalt  }
0x6f: {  	_ =	shalt  }
0x70: {  	_ =	shalt  }
0x71: {  	_ =	shalt  }
0x72: {  	_ =	shalt  }
0x73: {  	_ =	shalt  }
0x74: {  	_ =	shalt  }
0x75: {  	_ =	shalt  }
0x76: {  	_ =	shalt  }
0x77: {  	_ =	shalt  }
0x78: {  	_ =	shalt  }
0x79: {  	_ =	shalt  }
0x7a: {  	_ =	shalt  }
0x7b: {  	_ =	shalt  }
0x7c: {  	_ =	shalt  }
0x7d: {  	_ =	shalt  }
0x7e: {  	_ =	shalt  }
0x7f: {  	_ =	shalt  }
0x80: {  	_ =	shalt  }
0x81: {  	_ =	shalt  }
0x82: {  	_ =	shalt  }
0x83: {  	_ =	shalt  }
0x84: {  	_ =	shalt  }
0x85: {  	_ =	shalt  }
0x86: {  	_ =	shalt  }
0x87: {  	_ =	shalt  }
.Lfunc_end0:
.L_simem_size_0:
called_computation_lowered:
.L_overlay_start_0:
0x88: {  	s2 =	sld [smem:$0x3FD9]  }
0x89: {  	s3 =	sld [smem:$0x3FFE];
	_ =	sdelay $0x1  }
0x8a: {  	s1 =	srdreg.scid  }
0x8b: {  	s0 =	sand.u32 $0x1, s1  }
0x8c: {  	s17 =	sshll.u32 s0, $0xA;
	s2 =	sadd.s32 s3, s2  }
0x8d: {  	s2 =	sadd.s32 s2, s17  }
0x8e: {  	[smem:$0x3FC6] =	sst s2  }
0x8f: {  	_ = 	snop  }
0x90: {  	s2 =	sld [smem:$0x3FC9]  }
0x91: {  	s18 =	sld [smem:$0x3FD0];
	(tm) =	ssettm $0x1  }
0x92: {  	s4 =	sld [smem:$0x3FFB];
	_ =	sdelay $0x3  }
0x93: {  	_ =	strace s4  }
0x94: {  	s4 =	sld [smem:$0x3FFC];
	_ =	sdelay $0x3  }
0x95: {  	_ =	strace s4  }
0x96: {  	s4 =	sld [smem:$0x3FFD];
	_ =	sdelay $0x3  }
0x97: {  	_ =	strace s4  }
0x98: {  	_ =	strace $0x8FFFFFFF  }
0x99: {  	s19 =	sld [smem:$0x3FDB];
	_ =	sdelay $0x1  }
0x9a: {  	s5 =	simm.s32 $_scs_section_size  }
0x9b: {  	s6 =	simm.s32 $_size__tile_overlayer_lowered;
	s7 =	simm.s32 $_tile_overlayer_lowered  }
0x9c: {  	s22 =	simm.s32 $0x1BFF;
	s21 =	sshll.u32 s7, $0x1;
	s4 =	sadd.s32 s5, s19  }
0x9d: {  	s8 =	simm.s32 $0x0;
	s20 =	sshll.u32 s6, $0x1;
	s6 =	sadd.s32 s21, s4  }
0x9e: {  	[timem:s8], [sflag:s22] =	dma.local [hbm:s6], s20  }
0x9f: {  	_ =	swait.ge [sflag:s22], s20  }
0xa0: {  	s5 =	ssub.s32 $0x0, s20;
	[sflag:s22] =	ssyncset.done $0x0  }
0xa1: {  	[sflag:s22] =	ssyncadd.s32 s5;
	_ =	sdelay $0x1  }
0xa2: {  	s23 =	simm.s32 $0x1B8B  }
0xa3: {  	_ =	swait.ge [sflag:s23], $0x1  }
0xa4: {  	[sflag:s23] =	ssyncset.done $0x0  }
0xa5: {  	s25 =	simm.s32 $0x1B8E;
	s24 =	sld [smem:$0x3FFE];
	[sflag:s23] =	ssyncadd.s32 $0xFFFFFFFF  }
0xa6: {  	s26 =	simm.s32 $execute0_lowered;
	[smem:$0x3FD2] =	sst s25  }
0xa7: {  	s6 =	sshll.u32 s26, $0x1;
	_ =	strace $0x80000046;
	[dreg:$0x1] =	wrdreg $0xFFFFFFFF  }
0xa8: {  	s28 =	simm.s32 $_size_execute0_lowered;
	s4 =	sadd.s32 s4, s6;
	[dreg:$0x0] =	wrdreg $0x0  }
0xa9: {  	s6 =	sshll.u32 s28, $0x1;
	[dreg:$0x2] =	wrdreg s4  }
0xaa: {  	[dreg:$0x3] =	wrdreg s6  }
0xab: {  	[dreg:$0x4] =	wrdreg $0xC0  }
0xac: {  	_ =	task [dreg:s8], $0x5FFFF  }
0xad: {  	[dreg:$0x1] =	wrdreg $0xFFFFFFFF  }
0xae: {  	[dreg:$0x0] =	wrdreg $0x60  }
0xaf: {  	[dreg:$0x2] =	wrdreg s2  }
0xb0: {  	[dreg:$0x3] =	wrdreg s18  }
0xb1: {  	[dreg:$0x4] =	wrdreg s24  }
0xb2: {  	[dreg:$0x5] =	wrdreg $0x0  }
0xb3: {  	[dreg:$0x6] =	wrdreg $0x9  }
0xb4: {  	_ =	task.clear_ibuf [dreg:s8], $0x7FFFF;
	_ =	strace $0x90000046  }
0xb5: {  	s29 =	simm.s32 $0x9;
	_ =	strace $0x80000048  }
0xb6: {  	_ =	swait.ge [sflag:s29], $0x1  }
0xb7: {  	[sflag:s29] =	ssyncadd.s32 $0xFFFFFFFF  }
0xb8: {  	_ =	strace $0x90000048  }
0xb9: {  	_ =	sfence  }
0xba: {  	s30 =	sld [smem:$0x0];
	_ =	sdelay $0x2  }
0xbb: {  	s31 =	sshll.u32 s1, $0xD;
	s1 =	sshrl.u32 s1, $0x2  }
0xbc: {  	s3 =	sand.u32 $0x4000, s31;
	s1 =	sadd.s32 s1, s30  }
0xbd: {  	s0 =	sor.u32 s3, s0;
	s1 =	sshll.u32 s1, $0x11  }
0xbe: {  	s0 =	sor.u32 s1, s0  }
0xbf: {  	s0 =	sadd.s32 $0x8F2B, s0  }
0xc0: {  	[sflag:s0] =	ssyncadd.remote.s32 $0x1  }
0xc1: {  	_ =	sfence.sel $0xFFFF  }
0xc2: {  	[dreg:$0x0] =	wrdreg $0xFFFFFFFF;
	(pc) =	sbr.abs _section_cstart, $3  }
0xc3: {  	[dreg:$0x1] =	wrdreg $0xFFFFFFFF  }
0xc4: {  	_ =	task.clear_ibuf [dreg:s8], $0x2FFFF;
	_ =	strace $0x9FFFFFFF  }
0xc5: {  	(tm) =	ssettm $0x7FFFFFFF  }
tec
execute0_lowered:
.L_overlay_start_1:
0x0: {  	(tag) =	ssettag $0x1  }
0x1: {  	s0 =	rddreg [dreg:$0x0]  }
0x2: {  	s4 =	rddreg [dreg:$0x1]  }
0x3: {  	s1 =	srdreg.scid;
	s5 =	rddreg [dreg:$0x2]  }
0x4: {  	s13 =	stileid.u32;
	s2 =	rddreg [dreg:$0x3];
	s1 =	sand.u32 $0x1, s1  }
0x5: {  	s28 =	simm.s32 $0x13880;
	s3 =	sshrl.u32 s13, $0x3;
	s6 =	smul.u32 $0x27800, s1  }
0x6: {  	s8 =	sshll.u32 s13, $0x7;
	s22 =	sadd.s32 $0xC00, s5;
	s7 =	smul.u32 $0x13C00, s3  }
0x7: {  	s9 =	smul.u32 $0x4E000, s13;
	s3 =	simm.s32 $0x0;
	s21 =	sand.u32 $0x380, s8  }
0x8: {  	s24 =	sshll.u32 s1, $0x4;
	s25 =	ssub.s32 $0x2, s1;
	s6 =	sadd.s32 s6, s7  }
0x9: {  	[smem:$0x7FF] =	sst s3;
	s10 =	sshrl.u32 s25, $0x1;
	s6 =	sor.u32 s21, s6  }
0xa: {  	s14 =	sshrl.u32 s9, $0x2;
	s10 =	ssub.s32 s25, s10;
	s6 =	sshrl.u32 s6, $0x3  }
0xb: {  	s19 =	smax.u32 s10, $0x1;
	s23 =	sadd.s32 s6, s5;
	s5 =	sor.u32 s13, s24  }
0xc: {  	_ =	strace $0x80000047;
	[dreg:$0xa] =	wrdreg s19;
	s11 =	sshll.u32 s5, $0xB  }
0xd: {  	s15 =	smul.u32 $0x27100, s5;
	s5 =	sadd.s32 s14, s2;
	s8 =	sadd.s32 $0x4EE00, s23  }
0xe: {  	s29 =	simm.s32 $0x16080;
	[dreg:$0x7] =	wrdreg s8;
	s20 =	sadd.s32 $0x800, s5  }
0xf: {  	s30 =	simm.s32 $0x50;
	s21 =	sadd.s32 $0x1000, s5;
	[dreg:$0xb] =	wrdreg s20  }
0x10: {  	s26 =	smul.u32 $0x13800, s13;
	s23 =	sadd.s32 $0x2000, s5;
	[dreg:$0xc] =	wrdreg s21  }
0x11: {  	s12 =	smul.u32 $0x138800, s1;
	s24 =	sadd.s32 $0x2800, s5;
	[dreg:$0xe] =	wrdreg s23  }
0x12: {  	s31 =	simm.s32 $0x1C880;
	s25 =	sadd.s32 $0x3000, s5;
	[dreg:$0xf] =	wrdreg s24  }
0x13: {  	s16 =	sadd.s32 s26, s12;
	s26 =	sadd.s32 $0x3800, s5;
	[dreg:$0x10] =	wrdreg s25  }
0x14: {  	p0 =	sne.s32 s13, $0xF;
	s7 =	sadd.s32 $0x4000, s5;
	[dreg:$0x11] =	wrdreg s26  }
0x15: {  	s1 =	smul.u32 $0x271000, s1;
	s10 =	sadd.s32 $0x5000, s5;
	[dreg:$0x12] =	wrdreg s7  }
0x16: {  	s4 =	sadd.s32 s11, s4;
	s11 =	sadd.s32 $0x5800, s5;
	[dreg:$0x14] =	wrdreg s10  }
0x17: {  	s17 =	sshrl.u32 s12, $0x3;
	s12 =	sadd.s32 $0x6000, s5;
	[dreg:$0x15] =	wrdreg s11  }
0x18: {  	s18 =	sadd.s32 s22, s17;
	s14 =	sadd.s32 $0x6800, s5;
	[dreg:$0x16] =	wrdreg s12  }
0x19: {  	s6 =	sadd.s32 $0x138000, s2;
	s17 =	sadd.s32 $0x8000, s5;
	[dreg:$0x17] =	wrdreg s14  }
0x1a: {  	s8 =	smul.u32 $0x27100, s13;
	s19 =	sadd.s32 $0x9000, s5;
	[dreg:$0x1b] =	wrdreg s17  }
0x1b: {  	s13 =	sadd.s32 $0xE000, s5;
	s4 =	sadd.s32 $0x10000, s4;
	[dreg:$0x1d] =	wrdreg s19  }
0x1c: {  	s9 =	sadd.s32 s0, s15;
	s0 =	sadd.s32 s1, s0;
	[dreg:$0x5] =	wrdreg s4  }
0x1d: {  	s15 =	sadd.s32 $0x7000, s5;
	s20 =	sadd.s32 $0x9800, s5;
	[dreg:$0x6] =	wrdreg s9  }
0x1e: {  	s21 =	sadd.s32 $0xA000, s5;
	s23 =	sadd.s32 $0xB000, s5;
	[dreg:$0x19] =	wrdreg s15  }
0x1f: {  	s24 =	sadd.s32 $0xB800, s5;
	s25 =	sadd.s32 $0xC000, s5;
	[dreg:$0x1e] =	wrdreg s20  }
0x20: {  	s26 =	sadd.s32 $0xC800, s5;
	s11 =	sadd.s32 $0xD000, s5;
	[dreg:$0x1f] =	wrdreg s21  }
0x21: {  	s12 =	sadd.s32 $0xD800, s5;
	s14 =	sadd.s32 $0xE800, s5;
	[smem:$0x7FA] =	sst s23  }
0x22: {  	s17 =	sadd.s32 $0x10000, s5;
	s19 =	sadd.s32 $0x11000, s5;
	[smem:$0x7FB] =	sst s24  }
0x23: {  	s1 =	simm.s32 $0x3;
	s4 =	sshrl.u32 s16, $0x3;
	[smem:$0x7FC] =	sst s25  }
0x24: {  	s9 =	sadd.s32 $0x4800, s5;
	s0 =	sadd.s32 s8, s0;
	[smem:$0x7FD] =	sst s26  }
0x25: {  	s16 =	sadd.s32 $0x7800, s5;
	s15 =	sadd.s32 $0xF000, s5;
	[dreg:$0x13] =	wrdreg s9  }
0x26: {  	s20 =	sadd.s32 $0x11800, s5;
	s4 =	sadd.s32 s22, s4;
	[dreg:$0x1a] =	wrdreg s16  }
0x27: {  	s21 =	sadd.s32 $0x12000, s5;
	s22 =	sadd.s32 $0x1800, s5;
	[dreg:$0x8] =	wrdreg s4  }
0x28: {  	s23 =	sadd.s32 $0x13000, s5;
	s0 =	sadd.s32 $0xA00, s0;
	[dreg:$0xd] =	wrdreg s22  }
0x29: {  	s24 =	simm.s32 $0x1F000;
	s4 =	sadd.s32 $0x27000, s18;
	[dreg:$0x18] =	wrdreg s0  }
0x2a: {  	s26 =	simm.s32 $0x2;
	s18 =	sadd.s32 $0x8800, s5;
	[dreg:$0x9] =	wrdreg s4  }
0x2b: {  	s25 =	simm.s32 $0x1;
	s22 =	sadd.s32 $0xA800, s5;
	[dreg:$0x1c] =	wrdreg s18  }
0x2c: {  	s16 =	sadd.s32 $0xF800, s5;
	s0 =	simm.s32 $0x4;
	[smem:$0x7F9] =	sst s22  }
0x2d: {  	v0 =	vimm.f32 $0.0e+00;
	v1 =	vimm.f32 $1.000000000e+00;
	s18 =	sadd.s32 $0x10800, s5;
	s22 =	sadd.s32 $0x12800, s5;
	s4 =	simm.s32 $0x0  }
.LBB2_1:
0x2e: {  	s7 =	rddreg [dreg:$0x5];
	s8 =	simm.s32 $0x18880  }
0x2f: {  	[tilespmem:s8], [sflag:$0x1] =	stream.linear.gather [hbm4b:s7+s3], $0x3E80, $0x38;
	[tilespmem:$0x1F800] =	vst v63  }
0x30: {  	s7 =	simm.s32 $0x0;
	s8 =	simm.s32 $0x200  }
.LBB2_2:
0x31: {  	p1 =	sne.s32 s8, $0x1E00;
	[tilespmem:s7+$0x1F070] =	vst v0  }
0x32: {  	[tilespmem:s7+$0x1F000] =	vst v0  }
0x33: {  	[tilespmem:s7+$0x1F010] =	vst v0  }
.Ltmp0:
0x34: {  	[tilespmem:s7+$0x1F020] =	vst v0;
	(pc) =	sbr.rel @p1 .LBB2_2-.Ltmp0, $4  }
0x35: {  	[tilespmem:s7+$0x1F030] =	vst v0  }
0x36: {  	[tilespmem:s7+$0x1F040] =	vst v0  }
0x37: {  	[tilespmem:s7+$0x1F050] =	vst v0  }
0x38: {  	[tilespmem:s7+$0x1F060] =	vst v0;
	s7 =	sshra.s32 s8, $0x2;
	s8 =	sadd.s32 $0x200, s8  }
0x39: {  	[tilespmem:s7+$0x1F070] =	vst v0  }
0x3a: {  	[tilespmem:s7+$0x1F000] =	vst v0  }
0x3b: {  	[tilespmem:s7+$0x1F010] =	vst v0  }
0x3c: {  	[tilespmem:s7+$0x1F020] =	vst v0  }
0x3d: {  	[tilespmem:s7+$0x1F030] =	vst v0  }
0x3e: {  	[tilespmem:s7+$0x1F040] =	vst v0  }
0x3f: {  	[tilespmem:s7+$0x1F050] =	vst v0  }
0x40: {  	[tilespmem:s7+$0x1F060] =	vst v0;
	s7 =	simm.s32 $0x40;
	s8 =	simm.s32 $0x0  }
.LBB2_4:
0x41: {  	p1 =	sne.s32 s7, $0x9C00;
	[tilespmem:s8+$0x1C880] =	vst v0;
	s8 =	smov.u32 s7;
	s7 =	sadd.s32 $0x40, s7  }
.Ltmp1:
0x42: {  	(pc) =	sbr.rel @p1 .LBB2_4-.Ltmp1, $2  }
0x43: {  	_ =	sdelay $0x2  }
0x44: {  	s8 =	sshra.s32 s8, $0x2  }
0x45: {  	[tilespmem:s8+$0x1C880] =	vst v0;
	s7 =	rddreg [dreg:$0xb]  }
0x46: {  	[spmem:s5] =	stream.linear.scatter [tilespmem:s24], [sflag:$0x2], $0x800, $0x38;
	[tilespmem:$0x1F800] =	vst v63  }
0x47: {  	s8 =	rddreg [dreg:$0xc]  }
0x48: {  	[spmem:s7] =	stream.linear.scatter [tilespmem:s24], [sflag:$0x2], $0x800, $0x38;
	[tilespmem:$0x1F800] =	vst v63  }
0x49: {  	s9 =	rddreg [dreg:$0xd]  }
0x4a: {  	[spmem:s8] =	stream.linear.scatter [tilespmem:s24], [sflag:$0x2], $0x800, $0x38;
	[tilespmem:$0x1F800] =	vst v63  }
0x4b: {  	s10 =	rddreg [dreg:$0xe]  }
0x4c: {  	[spmem:s9] =	stream.linear.scatter [tilespmem:s24], [sflag:$0x2], $0x800, $0x38;
	[tilespmem:$0x1F800] =	vst v63  }
0x4d: {  	s8 =	rddreg [dreg:$0xf]  }
0x4e: {  	[spmem:s10] =	stream.linear.scatter [tilespmem:s24], [sflag:$0x2], $0x800, $0x38;
	[tilespmem:$0x1F800] =	vst v63  }
0x4f: {  	s9 =	rddreg [dreg:$0x10]  }
0x50: {  	[spmem:s8] =	stream.linear.scatter [tilespmem:s24], [sflag:$0x2], $0x800, $0x38;
	[tilespmem:$0x1F800] =	vst v63  }
0x51: {  	s10 =	rddreg [dreg:$0x11]  }
0x52: {  	[spmem:s9] =	stream.linear.scatter [tilespmem:s24], [sflag:$0x2], $0x800, $0x38;
	[tilespmem:$0x1F800] =	vst v63  }
0x53: {  	s8 =	rddreg [dreg:$0x12]  }
0x54: {  	[spmem:s10] =	stream.linear.scatter [tilespmem:s24], [sflag:$0x2], $0x800, $0x38;
	[tilespmem:$0x1F800] =	vst v63  }
0x55: {  	s9 =	rddreg [dreg:$0x13]  }
0x56: {  	[spmem:s8] =	stream.linear.scatter [tilespmem:s24], [sflag:$0x2], $0x800, $0x38;
	[tilespmem:$0x1F800] =	vst v63  }
0x57: {  	s10 =	rddreg [dreg:$0x14]  }
0x58: {  	[spmem:s9] =	stream.linear.scatter [tilespmem:s24], [sflag:$0x2], $0x800, $0x38;
	[tilespmem:$0x1F800] =	vst v63  }
0x59: {  	s8 =	rddreg [dreg:$0x15]  }
0x5a: {  	[spmem:s10] =	stream.linear.scatter [tilespmem:s24], [sflag:$0x2], $0x800, $0x38;
	[tilespmem:$0x1F800] =	vst v63  }
0x5b: {  	s9 =	rddreg [dreg:$0x16]  }
0x5c: {  	[spmem:s8] =	stream.linear.scatter [tilespmem:s24], [sflag:$0x2], $0x800, $0x38;
	[tilespmem:$0x1F800] =	vst v63  }
0x5d: {  	s10 =	rddreg [dreg:$0x17]  }
0x5e: {  	[spmem:s9] =	stream.linear.scatter [tilespmem:s24], [sflag:$0x2], $0x800, $0x38;
	[tilespmem:$0x1F800] =	vst v63  }
0x5f: {  	s8 =	rddreg [dreg:$0x19]  }
0x60: {  	[spmem:s10] =	stream.linear.scatter [tilespmem:s24], [sflag:$0x2], $0x800, $0x38;
	[tilespmem:$0x1F800] =	vst v63  }
0x61: {  	s9 =	rddreg [dreg:$0x1a]  }
0x62: {  	[spmem:s8] =	stream.linear.scatter [tilespmem:s24], [sflag:$0x2], $0x800, $0x38;
	[tilespmem:$0x1F800] =	vst v63  }
0x63: {  	s10 =	rddreg [dreg:$0x1b]  }
0x64: {  	[spmem:s9] =	stream.linear.scatter [tilespmem:s24], [sflag:$0x2], $0x800, $0x38;
	[tilespmem:$0x1F800] =	vst v63  }
0x65: {  	s8 =	rddreg [dreg:$0x1c]  }
0x66: {  	[spmem:s10] =	stream.linear.scatter [tilespmem:s24], [sflag:$0x2], $0x800, $0x38;
	[tilespmem:$0x1F800] =	vst v63  }
0x67: {  	s9 =	rddreg [dreg:$0x1d]  }
0x68: {  	[spmem:s8] =	stream.linear.scatter [tilespmem:s24], [sflag:$0x2], $0x800, $0x38;
	[tilespmem:$0x1F800] =	vst v63  }
0x69: {  	s10 =	rddreg [dreg:$0x1e]  }
0x6a: {  	[spmem:s9] =	stream.linear.scatter [tilespmem:s24], [sflag:$0x2], $0x800, $0x38;
	[tilespmem:$0x1F800] =	vst v63  }
0x6b: {  	s8 =	rddreg [dreg:$0x1f]  }
0x6c: {  	[spmem:s10] =	stream.linear.scatter [tilespmem:s24], [sflag:$0x2], $0x800, $0x38;
	[tilespmem:$0x1F800] =	vst v63  }
0x6d: {  	s9 =	sld [smem:$0x7F9]  }
0x6e: {  	[spmem:s8] =	stream.linear.scatter [tilespmem:s24], [sflag:$0x2], $0x800, $0x38;
	[tilespmem:$0x1F800] =	vst v63  }
0x6f: {  	s10 =	sld [smem:$0x7FA]  }
0x70: {  	[spmem:s9] =	stream.linear.scatter [tilespmem:s24], [sflag:$0x2], $0x800, $0x38;
	[tilespmem:$0x1F800] =	vst v63  }
0x71: {  	s8 =	sld [smem:$0x7FB]  }
0x72: {  	[spmem:s10] =	stream.linear.scatter [tilespmem:s24], [sflag:$0x2], $0x800, $0x38;
	[tilespmem:$0x1F800] =	vst v63  }
0x73: {  	s9 =	sld [smem:$0x7FC]  }
0x74: {  	[spmem:s8] =	stream.linear.scatter [tilespmem:s24], [sflag:$0x2], $0x800, $0x38;
	[tilespmem:$0x1F800] =	vst v63  }
0x75: {  	s10 =	sld [smem:$0x7FD]  }
0x76: {  	[spmem:s9] =	stream.linear.scatter [tilespmem:s24], [sflag:$0x2], $0x800, $0x38;
	[tilespmem:$0x1F800] =	vst v63  }
0x77: {  	_ = 	snop  }
0x78: {  	[spmem:s10] =	stream.linear.scatter [tilespmem:s24], [sflag:$0x2], $0x800, $0x38;
	[tilespmem:$0x1F800] =	vst v63  }
0x79: {  	_ = 	snop  }
0x7a: {  	[spmem:s11] =	stream.linear.scatter [tilespmem:s24], [sflag:$0x2], $0x800, $0x38;
	[tilespmem:$0x1F800] =	vst v63  }
0x7b: {  	_ = 	snop  }
0x7c: {  	[spmem:s12] =	stream.linear.scatter [tilespmem:s24], [sflag:$0x2], $0x800, $0x38;
	[tilespmem:$0x1F800] =	vst v63  }
0x7d: {  	_ = 	snop  }
0x7e: {  	[spmem:s13] =	stream.linear.scatter [tilespmem:s24], [sflag:$0x2], $0x800, $0x38;
	[tilespmem:$0x1F800] =	vst v63  }
0x7f: {  	_ = 	snop  }
0x80: {  	[spmem:s14] =	stream.linear.scatter [tilespmem:s24], [sflag:$0x2], $0x800, $0x38;
	[tilespmem:$0x1F800] =	vst v63  }
0x81: {  	_ = 	snop  }
0x82: {  	[spmem:s15] =	stream.linear.scatter [tilespmem:s24], [sflag:$0x2], $0x800, $0x38;
	[tilespmem:$0x1F800] =	vst v63  }
0x83: {  	_ = 	snop  }
0x84: {  	[spmem:s16] =	stream.linear.scatter [tilespmem:s24], [sflag:$0x2], $0x800, $0x38;
	[tilespmem:$0x1F800] =	vst v63  }
0x85: {  	_ = 	snop  }
0x86: {  	[spmem:s17] =	stream.linear.scatter [tilespmem:s24], [sflag:$0x2], $0x800, $0x38;
	[tilespmem:$0x1F800] =	vst v63  }
0x87: {  	_ = 	snop  }
0x88: {  	[spmem:s18] =	stream.linear.scatter [tilespmem:s24], [sflag:$0x2], $0x800, $0x38;
	[tilespmem:$0x1F800] =	vst v63  }
0x89: {  	_ = 	snop  }
0x8a: {  	[spmem:s19] =	stream.linear.scatter [tilespmem:s24], [sflag:$0x2], $0x800, $0x38;
	[tilespmem:$0x1F800] =	vst v63  }
0x8b: {  	_ = 	snop  }
0x8c: {  	[spmem:s20] =	stream.linear.scatter [tilespmem:s24], [sflag:$0x2], $0x800, $0x38;
	[tilespmem:$0x1F800] =	vst v63  }
0x8d: {  	_ = 	snop  }
0x8e: {  	[spmem:s21] =	stream.linear.scatter [tilespmem:s24], [sflag:$0x2], $0x800, $0x38;
	[tilespmem:$0x1F800] =	vst v63  }
0x8f: {  	_ = 	snop  }
0x90: {  	[spmem:s22] =	stream.linear.scatter [tilespmem:s24], [sflag:$0x2], $0x800, $0x38;
	[tilespmem:$0x1F800] =	vst v63  }
0x91: {  	_ = 	snop  }
0x92: {  	[spmem:s23] =	stream.linear.scatter [tilespmem:s24], [sflag:$0x2], $0x800, $0x38;
	[tilespmem:$0x1F800] =	vst v63  }
0x93: {  	s7 =	simm.s32 @!p0 $0x1F000  }
0x94: {  	[spmem:s6] =	stream.linear.scatter @!p0 [tilespmem:s7], [sflag:$0x4], $0x800, $0x38;
	[tilespmem:$0x1F800] =	vst v63  }
0x95: {  	s7 =	simm.s32 @!p0 $0x4  }
0x96: {  	_ =	swait.ge @!p0 [sflag:s7], $0x800  }
0x97: {  	[sflag:s7] =	ssyncset.done @!p0 $0x0  }
0x98: {  	[sflag:s7] =	ssyncadd.s32 @!p0 $0xFFFFF800  }
0x99: {  	_ =	swait.ge [sflag:s26], $0x800  }
0x9a: {  	s7 =	simm.s32 $0x26;
	[sflag:s26] =	ssyncset.done $0x0  }
.LBB2_6:
0x9b: {  	p1 =	sne.s32 s7, $0x1;
	s7 =	sadd.s32 $0xFFFFFFFF, s7;
	[sflag:s26] =	ssyncadd.s32 $0xFFFFF800  }
.Ltmp2:
0x9c: {  	(pc) =	sbr.rel @p1 .LBB2_6-.Ltmp2, $3  }
0x9d: {  	_ =	sdelay $0x1  }
0x9e: {  	_ =	swait.ge [sflag:s26], $0x800  }
0x9f: {  	[sflag:s26] =	ssyncset.done $0x0  }
0xa0: {  	[sflag:s26] =	ssyncadd.s32 $0xFFFFF800  }
0xa1: {  	_ =	swait.ge [sflag:s25], $0x3E80  }
0xa2: {  	[sflag:s25] =	ssyncset.done $0x0  }
0xa3: {  	[sflag:s25] =	ssyncadd.s32 $0xFFFFC180  }
0xa4: {  	[bflag:$0x0] =	sbarrier.arrive $0xFFFF  }
0xa5: {  	s7 =	simm.s32 $0x0;
	s8 =	rddreg [dreg:$0x6]  }
0xa6: {  	[tilespmem:s28], [sflag:$0x1] =	stream.linear.gather [hbm4b:s8+s7], $0x2800, $0x38;
	[tilespmem:$0x1F800] =	vst v63  }
0xa7: {  	s8 =	rddreg [dreg:$0x18]  }
.LBB2_8:
0xa8: {  	s9 =	sadd.s32 $0xFFFFFB00, s8  }
0xa9: {  	[tilespmem:s29], [sflag:$0x2] =	stream.linear.gather [hbm4b:s9+s3], $0x2800, $0x38;
	[tilespmem:$0x1F800] =	vst v63  }
0xaa: {  	_ =	swait.ge [sflag:s25], $0x2800  }
0xab: {  	s9 =	sshra.s32 s7, $0x2;
	[sflag:s25] =	ssyncset.done $0x0  }
0xac: {  	s10 =	sadd.s32 $0x18880, s9;
	[sflag:s25] =	ssyncadd.s32 $0xFFFFD800  }
0xad: {  	[spmem:s2] =	stream.indirect.scatter.add.f32 [tilespmem:s28], [sflag:$0x3], $0x80, s10, s30, $0xb8;
	[tilespmem:$0x1F800] =	vst v63  }
0xae: {  	v2 =	vld [tilespmem:s9+$0x18880];
	_ =	sdelay $0x7  }
0xaf: {  	[tilespmem:v2+s31+$0x0] =	vst.idx.add.f32.msk $0xffff, v1  }
0xb0: {  	v2 =	vld [tilespmem:s9+$0x18890];
	_ =	sdelay $0x7  }
0xb1: {  	[tilespmem:v2+s31+$0x0] =	vst.idx.add.f32.msk $0xffff, v1  }
0xb2: {  	v2 =	vld [tilespmem:s9+$0x188A0];
	_ =	sdelay $0x7  }
0xb3: {  	[tilespmem:v2+s31+$0x0] =	vst.idx.add.f32.msk $0xffff, v1  }
0xb4: {  	v2 =	vld [tilespmem:s9+$0x188B0];
	_ =	sdelay $0x7  }
0xb5: {  	[tilespmem:v2+s31+$0x0] =	vst.idx.add.f32.msk $0xffff, v1  }
0xb6: {  	v2 =	vld [tilespmem:s9+$0x188C0];
	_ =	sdelay $0x7  }
0xb7: {  	[tilespmem:v2+s31+$0x0] =	vst.idx.add.f32.msk $0xffff, v1  }
0xb8: {  	_ =	swait.ge [sflag:s1], $0x2800  }
0xb9: {  	[sflag:s1] =	ssyncset.done $0x0  }
0xba: {  	[sflag:s1] =	ssyncadd.s32 $0xFFFFD800  }
0xbb: {  	[tilespmem:s28], [sflag:$0x1] =	stream.linear.gather [hbm4b:s8+s3], $0x2800, $0x38;
	[tilespmem:$0x1F800] =	vst v63  }
0xbc: {  	_ =	swait.ge [sflag:s26], $0x2800  }
0xbd: {  	[sflag:s26] =	ssyncset.done $0x0  }
0xbe: {  	s10 =	sadd.s32 $0x18900, s9;
	[sflag:s26] =	ssyncadd.s32 $0xFFFFD800  }
0xbf: {  	[spmem:s2] =	stream.indirect.scatter.add.f32 [tilespmem:s29], [sflag:$0x3], $0x80, s10, s30, $0xb8;
	[tilespmem:$0x1F800] =	vst v63  }
0xc0: {  	v2 =	vld [tilespmem:s9+$0x18900];
	_ =	sdelay $0x7  }
0xc1: {  	[tilespmem:v2+s31+$0x0] =	vst.idx.add.f32.msk $0xffff, v1  }
0xc2: {  	v2 =	vld [tilespmem:s9+$0x18910];
	_ =	sdelay $0x7  }
0xc3: {  	[tilespmem:v2+s31+$0x0] =	vst.idx.add.f32.msk $0xffff, v1  }
0xc4: {  	v2 =	vld [tilespmem:s9+$0x18920];
	_ =	sdelay $0x7  }
0xc5: {  	[tilespmem:v2+s31+$0x0] =	vst.idx.add.f32.msk $0xffff, v1  }
0xc6: {  	v2 =	vld [tilespmem:s9+$0x18930];
	_ =	sdelay $0x7  }
0xc7: {  	[tilespmem:v2+s31+$0x0] =	vst.idx.add.f32.msk $0xffff, v1  }
0xc8: {  	v2 =	vld [tilespmem:s9+$0x18940];
	_ =	sdelay $0x5  }
0xc9: {  	p1 =	sne.s32 s7, $0xF400  }
.Ltmp3:
0xca: {  	_ = 	snop;
	(pc) =	sbr.rel @p1 .LBB2_8-.Ltmp3, $4  }
0xcb: {  	[tilespmem:v2+s31+$0x0] =	vst.idx.add.f32.msk $0xffff, v1  }
0xcc: {  	_ =	swait.ge [sflag:s1], $0x2800  }
0xcd: {  	[sflag:s1] =	ssyncset.done $0x0  }
0xce: {  	s7 =	sadd.s32 $0x400, s7;
	s8 =	sadd.s32 $0xA00, s8;
	[sflag:s1] =	ssyncadd.s32 $0xFFFFD800  }
0xcf: {  	_ =	swait.ge [sflag:s25], $0x2800  }
0xd0: {  	[sflag:s25] =	ssyncset.done $0x0  }
0xd1: {  	s7 =	simm.s32 $0x1C680;
	[sflag:s25] =	ssyncadd.s32 $0xFFFFD800  }
0xd2: {  	[spmem:s2] =	stream.indirect.scatter.add.f32 [tilespmem:s28], [sflag:$0x3], $0x80, s7, s30, $0xb8;
	[tilespmem:$0x1F800] =	vst v63  }
0xd3: {  	v2 =	vld [tilespmem:$0x1C680];
	_ =	sdelay $0x7  }
0xd4: {  	[tilespmem:v2+s31+$0x0] =	vst.idx.add.f32.msk $0xffff, v1  }
0xd5: {  	v2 =	vld [tilespmem:$0x1C690];
	_ =	sdelay $0x7  }
0xd6: {  	[tilespmem:v2+s31+$0x0] =	vst.idx.add.f32.msk $0xffff, v1  }
0xd7: {  	v2 =	vld [tilespmem:$0x1C6A0];
	_ =	sdelay $0x7  }
0xd8: {  	[tilespmem:v2+s31+$0x0] =	vst.idx.add.f32.msk $0xffff, v1  }
0xd9: {  	v2 =	vld [tilespmem:$0x1C6B0];
	_ =	sdelay $0x7  }
0xda: {  	[tilespmem:v2+s31+$0x0] =	vst.idx.add.f32.msk $0xffff, v1  }
0xdb: {  	v2 =	vld [tilespmem:$0x1C6C0];
	_ =	sdelay $0x7  }
0xdc: {  	[tilespmem:v2+s31+$0x0] =	vst.idx.add.f32.msk $0xffff, v1  }
0xdd: {  	_ =	swait.ge [sflag:s1], $0x2800  }
0xde: {  	s8 =	simm.s32 $0x80;
	[sflag:s1] =	ssyncset.done $0x0  }
0xdf: {  	s9 =	simm.s32 $0x400;
	s10 =	rddreg [dreg:$0x7];
	[sflag:s1] =	ssyncadd.s32 $0xFFFFD800  }
0xe0: {  	[hbm4b:s10+s8] =	stream.strided.scatter [tilespmem:s31], [sflag:$0x4], $0x2780, s9, s8, $0x38;
	[tilespmem:$0x1F800] =	vst v63  }
0xe1: {  	_ =	swait.ge [sflag:s0], $0x2780  }
0xe2: {  	[sflag:s0] =	ssyncset.done $0x0  }
0xe3: {  	s8 =	stileid.u32;
	[sflag:s0] =	ssyncadd.s32 $0xFFFFD880  }
0xe4: {  	s7 =	sshll.u32 s8, $0x6;
	[bflag:$0x0] =	sbarrier.arrive $0xFFFF  }
0xe5: {  	s9 =	sshrl.u32 s5, $0x3;
	s7 =	sor.u32 $0x1C04, s7;
	s10 =	rddreg [dreg:$0x8]  }
0xe6: {  	[hbm:s10], [sflag:s7] =	dma.local [spmem:s9], $0x2700  }
0xe7: {  	_ =	swait.ge [sflag:s0], $0x2700  }
0xe8: {  	[sflag:s0] =	ssyncset.done $0x0  }
0xe9: {  	s8 =	sshrl.u32 @!p0 s6, $0x3;
	s9 =	rddreg [dreg:$0x9];
	[sflag:s0] =	ssyncadd.s32 $0xFFFFD900  }
0xea: {  	[hbm:s9], [sflag:s7] =	dma.local @!p0 [spmem:s8], $0x100  }
0xeb: {  	s7 =	simm.s32 @!p0 $0x4  }
0xec: {  	_ =	swait.ge @!p0 [sflag:s7], $0x100  }
0xed: {  	s4 =	sadd.s32 $0x1, s4;
	s10 =	rddreg [dreg:$0xa]  }
0xee: {  	p1 =	sne.s32 s4, s10  }
.Ltmp4:
0xef: {  	_ = 	snop;
	(pc) =	sbr.rel @p1 .LBB2_1-.Ltmp4, $3  }
0xf0: {  	_ =	sdelay $0x1  }
0xf1: {  	[sflag:s7] =	ssyncset.done @!p0 $0x0  }
0xf2: {  	[sflag:s7] =	ssyncadd.s32 @!p0 $0xFFFFFF00  }
0xf3: {  	_ =	sfence.sel $0x180000  }
0xf4: {  	[bflag:$0x0] =	sbarrier.arrive $0xFFFF  }
0xf5: {  	_ =	strace $0x90000047  }
0xf6: {  	s0 =	stileid.u32;
	[bflag:$0x2] =	sbarrier.arrive $0xFFFF  }
0xf7: {  	p0 =	sne.s32 s0, $0x0;
	s0 =	rddreg [dreg:$0x4]  }
0xf8: {  	s0 =	sadd.s32 @!p0 $0x100000, s0  }
0xf9: {  	[sflag:s0] =	ssyncadd.tile.s32 @!p0 $0x1;
	_ =	shalt  }
.Lfunc_end2:
_tile_overlayer_lowered:
.L_overlay_start_2:
0xfa: {  	(tag) =	ssettag $0x2  }
0xfb: {  	s0 =	rddreg [dreg:$0x0];
	s2 =	stileid.u32  }
0xfc: {  	s1 =	rddreg [dreg:$0x1];
	p0 =	sne.s32 s2, $0x0  }
0xfd: {  	s3 =	rddreg [dreg:$0x2];
	[bflag:$0x3] =	sbarrier.arrive $0xFFFF;
	s2 =	simm.s32 @!p0 $0x1C04  }
0xfe: {  	[timem:s3], [sflag:s2] =	dma.local @!p0 [hbm:s0], s1  }
0xff: {  	s0 =	simm.s32 @!p0 $0x4  }
0x100: {  	_ =	swait.ge @!p0 [sflag:s0], s1  }
0x101: {  	s1 =	ssub.s32 @!p0 $0x0, s1;
	[sflag:s0] =	ssyncset.done @!p0 $0x0  }
0x102: {  	[sflag:s0] =	ssyncadd.s32 @!p0 s1  }
0x103: {  	[bflag:$0x3] =	sbarrier.arrive $0xFFFF  }
0x104: {  	_ =	shalt  }

</sc_bundles>
